<compile_context>
chip_gen: v7x
topology: tpu7x:2x2x1
jax: 0.10.2.dev20260603
libtpu: 0.0.44.dev20260713+nightly
codegen_flags: <defaults>
</compile_context>

<pallas_src>
import functools

import jax
import jax.numpy as jnp
from jax import lax
from jax.experimental import pallas as pl
from jax.experimental.pallas import tpu as pltpu
from jax.experimental.pallas import tpu_sc as plsc

NC = 2
NS = 16
L = 16
NW = NC * NS

POS_IOU = 0.7
NEG_IOU = 0.3


def _vlog(x):
    bits = plsc.bitcast(x, jnp.int32)
    e = ((bits >> 23) & 0xFF) - 127
    m = plsc.bitcast((bits & 0x007FFFFF) | 0x3F800000, jnp.float32)
    half = m * 0.5
    big = half >= 0.70710678118654752440
    xr = jnp.where(big, half, m) - 1.0
    e = (e + jnp.where(big, 1, 0)).astype(jnp.float32)
    z = xr * xr
    p = jnp.full_like(xr, 7.0376836292e-2)
    for c in (-1.1514610310e-1, 1.1676998740e-1, -1.2420140846e-1,
              1.4249322787e-1, -1.6668057665e-1, 2.0000714765e-1,
              -2.4999993993e-1, 3.3333331174e-1):
        p = p * xr + c
    y = xr * z * p
    y = y + e * -2.12194440e-4
    y = y - 0.5 * z
    return (xr + y) + e * 0.693359375


def _pass1_body(N, G, BPT, NX, XBASE,
                anch_h, gt_h, wh_h,
                lab_h, t0_h, t1_h, t2_h, t3_h, win_h, code_h, cnt_h,
                a_x0, a_y0, a_x1, a_y1,
                gt_v, g_ab, g_w, g_hh, g_cx, g_cy,
                lab_v, t0_v, t1_v, t2_v, t3_v, win_v, code_v,
                wh_v, cnt_v, sem):
    PT = BPT * L
    wid = lax.axis_index("s") * NC + lax.axis_index("c")
    base = wid * PT
    has_extra = wid < NX

    handles = []
    for p, dst in enumerate((a_x0, a_y0, a_x1, a_y1)):
        handles.append(pltpu.async_copy(anch_h.at[pl.ds(p * N + base, PT)],
                                        dst.at[pl.ds(0, PT)], sem))
    handles.append(pltpu.async_copy(gt_h, gt_v, sem))
    handles.append(pltpu.async_copy(wh_h, wh_v, sem))

    @pl.when(has_extra)
    def _():
        xoff = XBASE + wid * L
        for p, dst in enumerate((a_x0, a_y0, a_x1, a_y1)):
            pltpu.async_copy(anch_h.at[pl.ds(p * N + xoff, L)],
                             dst.at[pl.ds(PT, L)], sem).wait()
    for h in handles:
        h.wait()

    lanes = lax.iota(jnp.int32, 16)

    for c in range(G // L):
        sl = pl.ds(c * L, L)
        bx0 = gt_v[pl.ds(0 * G + c * L, L)]
        by0 = gt_v[pl.ds(1 * G + c * L, L)]
        bx1 = gt_v[pl.ds(2 * G + c * L, L)]
        by1 = gt_v[pl.ds(3 * G + c * L, L)]
        gw = bx1 - bx0
        gh = by1 - by0
        g_ab[sl] = gw * gh
        g_w[sl] = gw
        g_hh[sl] = gh
        g_cx[sl] = bx0 + 0.5 * gw
        g_cy[sl] = by0 + 0.5 * gh

    hv = wh_v[pl.ds(0, L)]
    wv = wh_v[pl.ds(L, L)]

    def chunk_body(i, acc):
        sl = pl.ds(i * L, L)
        ax0 = a_x0[sl]
        ay0 = a_y0[sl]
        ax1 = a_x1[sl]
        ay1 = a_y1[sl]
        aw = ax1 - ax0
        ah = ay1 - ay0
        area_a = aw * ah
        inside = ((ax0 >= 0.0) & (ay0 >= 0.0) & (ax1 <= wv) & (ay1 <= hv))

        def comb(a, b):
            u = b[0] > a[0]
            return (jnp.where(u, b[0], a[0]), jnp.where(u, b[1], a[1]))

        UNR = 4

        def gt_body(jb, carry):
            j0 = jb * UNR
            cands = []
            for k in range(UNR):
                jj = jnp.full((16,), j0 + k, jnp.int32)
                bx0 = plsc.load_gather(gt_v, [jj])
                by0 = plsc.load_gather(gt_v, [jj + G])
                bx1 = plsc.load_gather(gt_v, [jj + 2 * G])
                by1 = plsc.load_gather(gt_v, [jj + 3 * G])
                ab = plsc.load_gather(g_ab, [jj])
                wx = jnp.maximum(jnp.minimum(ax1, bx1) - jnp.maximum(ax0, bx0),
                                 0.0)
                wy = jnp.maximum(jnp.minimum(ay1, by1) - jnp.maximum(ay0, by0),
                                 0.0)
                inter = wx * wy
                iou = inter / ((area_a + ab) - inter)
                cands.append((iou, jj))
            while len(cands) > 1:
                cands = [comb(cands[k], cands[k + 1])
                         for k in range(0, len(cands), 2)]
            return comb(carry, cands[0])

        best_iou, best_idx = lax.fori_loop(
            0, G // UNR, gt_body,
            (jnp.full((16,), -1.0, jnp.float32), jnp.zeros((16,), jnp.int32)))

        neg = best_iou < NEG_IOU
        pos = best_iou >= POS_IOU
        labf = jnp.where(pos, 1.0, jnp.where(neg, 0.0, -1.0))
        lab_v[sl] = jnp.where(inside, labf, -1.0)

        bgx = plsc.load_gather(g_cx, [best_idx])
        bgy = plsc.load_gather(g_cy, [best_idx])
        bgw = plsc.load_gather(g_w, [best_idx])
        bgh = plsc.load_gather(g_hh, [best_idx])
        acx = ax0 + 0.5 * aw
        acy = ay0 + 0.5 * ah
        ones = jnp.full((16,), 1.0, jnp.float32)
        t0_v[sl] = jnp.where(inside, (bgx - acx) / aw, ones)
        t1_v[sl] = jnp.where(inside, (bgy - acy) / ah, ones)
        t2_v[sl] = jnp.where(inside, _vlog(bgw / aw), ones)
        t3_v[sl] = jnp.where(inside, _vlog(bgh / ah), ones)

        win_v[sl] = jnp.where(inside, jnp.where(pos, 1.0, 0.0), 1.0)
        code_v[sl] = jnp.where(inside, jnp.where(neg | pos, 2.0, 0.0), 1.0)

        validm = inside & (neg | pos)
        return acc + jnp.where(validm, 1.0, 0.0)

    nch = jnp.where(has_extra, BPT + 1, BPT)
    acc = lax.fori_loop(0, nch, chunk_body, jnp.zeros((16,), jnp.float32),
                        unroll=False)
    cnt_v[...] = acc

    outs = ((lab_v, lab_h), (t0_v, t0_h), (t1_v, t1_h), (t2_v, t2_h),
            (t3_v, t3_h), (win_v, win_h), (code_v, code_h))
    handles = []
    for src, dst in outs:
        handles.append(pltpu.async_copy(src.at[pl.ds(0, PT)],
                                        dst.at[pl.ds(base, PT)], sem))
    handles.append(pltpu.async_copy(cnt_v, cnt_h.at[pl.ds(wid * L, L)], sem))

    @pl.when(has_extra)
    def _():
        xb = XBASE + wid * L
        for src, dst in outs:
            pltpu.async_copy(src.at[pl.ds(PT, L)],
                             dst.at[pl.ds(xb, L)], sem).wait()
    for h in handles:
        h.wait()


def _wout_body(code_ref, cnt_ref, out_ref):
    inv = 1.0 / jnp.sum(cnt_ref[...])
    c = code_ref[...]
    out_ref[...] = jnp.where(c == 2.0, inv, jnp.where(c == 1.0, 1.0, 0.0))


@jax.jit
def kernel(gt_bboxes, image_shape, anchors):
    N = anchors.shape[0]
    G = gt_bboxes.shape[0]
    NV = N // L
    BPT = NV // NW
    NX = NV - BPT * NW
    XBASE = BPT * NW * L

    anch_t = anchors.T.reshape(-1)
    gt_t = gt_bboxes.T.reshape(-1)
    wh32 = jnp.repeat(image_shape, L)

    mesh = plsc.VectorSubcoreMesh(core_axis_name="c", subcore_axis_name="s",
                                  num_cores=NC, num_subcores=NS)
    cparams = pltpu.CompilerParams(needs_layout_passes=False)

    f32 = jnp.float32
    PT = BPT * L
    PTX = PT + L
    plane = jax.ShapeDtypeStruct((N,), f32)
    pass1 = pl.kernel(
        functools.partial(_pass1_body, N, G, BPT, NX, XBASE),
        out_type=(
            plane,
            plane, plane, plane, plane,
            plane,
            plane,
            jax.ShapeDtypeStruct((NW * L,), f32),
        ),
        mesh=mesh,
        compiler_params=cparams,
        scratch_types=(
            pltpu.VMEM((PTX,), f32), pltpu.VMEM((PTX,), f32),
            pltpu.VMEM((PTX,), f32), pltpu.VMEM((PTX,), f32),
            pltpu.VMEM((G * 4,), f32),
            pltpu.VMEM((G,), f32), pltpu.VMEM((G,), f32),
            pltpu.VMEM((G,), f32), pltpu.VMEM((G,), f32),
            pltpu.VMEM((G,), f32),
            pltpu.VMEM((PTX,), f32), pltpu.VMEM((PTX,), f32),
            pltpu.VMEM((PTX,), f32), pltpu.VMEM((PTX,), f32),
            pltpu.VMEM((PTX,), f32), pltpu.VMEM((PTX,), f32),
            pltpu.VMEM((PTX,), f32),
            pltpu.VMEM((2 * L,), f32),
            pltpu.VMEM((16,), f32),
            pltpu.SemaphoreType.DMA,
        ),
    )
    lab, t0, t1, t2, t3, winp, codep, counts = pass1(anch_t, gt_t, wh32)

    wop = pl.pallas_call(
        _wout_body,
        out_shape=jax.ShapeDtypeStruct((N,), f32),
    )(codep, counts)

    targets = jnp.stack([t0, t1, t2, t3], axis=1)
    w_in = jnp.broadcast_to(winp[:, None], (N, 4))
    w_out = jnp.broadcast_to(wop[:, None], (N, 4))
    return (lab, targets, w_in, w_out)

# --- scband reference (transcript-rebuilt; emitter-appended) ---
"""Pipeline reference for scband-rpn-target-anchors-createor-26302379720849 (READ-ONLY COPY).

The authoritative reference and input builder live on the scoring server;
editing this copy changes nothing except your own understanding.
"""

import jax, jax.numpy as jnp
import numpy as np

POS_IOU = 0.7
NEG_IOU = 0.3
TOTAL_SAMPLES = 256
MAX_POS = 128


def _make_boxes(key, n, img, min_s, max_s, jitter):
    k1, k2, k3, k4 = jax.random.split(key, 4)
    cx = jax.random.uniform(k1, (n,)) * (img + 2.0 * jitter) - jitter
    cy = jax.random.uniform(k2, (n,)) * (img + 2.0 * jitter) - jitter
    w = jax.random.uniform(k3, (n,)) * (max_s - min_s) + min_s
    h = jax.random.uniform(k4, (n,)) * (max_s - min_s) + min_s
    return jnp.stack([cx - w / 2, cy - h / 2, cx + w / 2, cy + h / 2], axis=1).astype(jnp.float32)


def pairwise_iou(a, b):
    area_a = (a[:, 2] - a[:, 0]) * (a[:, 3] - a[:, 1])
    area_b = (b[:, 2] - b[:, 0]) * (b[:, 3] - b[:, 1])
    lt = jnp.maximum(a[:, None, :2], b[None, :, :2])
    rb = jnp.minimum(a[:, None, 2:], b[None, :, 2:])
    wh = jnp.clip(rb - lt, 0.0)
    inter = wh[..., 0] * wh[..., 1]
    return inter / (area_a[:, None] + area_b[None, :] - inter)


def encode_bboxes(anchors, gt):
    aw = anchors[:, 2] - anchors[:, 0]
    ah = anchors[:, 3] - anchors[:, 1]
    ax = anchors[:, 0] + 0.5 * aw
    ay = anchors[:, 1] + 0.5 * ah
    gw = gt[:, 2] - gt[:, 0]
    gh = gt[:, 3] - gt[:, 1]
    gx = gt[:, 0] + 0.5 * gw
    gy = gt[:, 1] + 0.5 * gh
    tx = (gx - ax) / aw
    ty = (gy - ay) / ah
    tw = jnp.log(gw / aw)
    th = jnp.log(gh / ah)
    return jnp.stack([tx, ty, tw, th], axis=1)


def setup_inputs(seed: int = 0):
    key = jax.random.key(seed)
    ka, kg = jax.random.split(key)
    # anchors: 20000 boxes, some hanging off the image border (jitter=64) so filtering is nontrivial
    anchors = _make_boxes(ka, 20000, 1024.0, 16.0, 256.0, 64.0)
    # gt boxes: 64 boxes fully inside the image
    gt_bboxes = _make_boxes(kg, 64, 1024.0, 32.0, 256.0, -160.0)
    image_shape = jnp.array([1024.0, 1024.0], dtype=jnp.float32)
    return {"gt_bboxes": gt_bboxes, "image_shape": image_shape, "anchors": anchors}


def reference(gt_bboxes, image_shape, anchors):
    num_anchors = anchors.shape[0]
    h = image_shape[0]
    w = image_shape[1]
    # filter_overlap_bboxes: keep anchors fully inside the image
    inside = (anchors[:, 0] >= 0) & (anchors[:, 1] >= 0) & (anchors[:, 2] <= w) & (anchors[:, 3] <= h)
    # _create_label
    iou = pairwise_iou(anchors, gt_bboxes)
    anchor_max_iou_indices = jnp.argmax(iou, axis=1)
    anchor_max_iou = jnp.max(iou, axis=1)
    labels = jnp.full((num_anchors,), -1, dtype=jnp.int32)
    labels = jnp.where(anchor_max_iou < NEG_IOU, jnp.zeros_like(labels), labels)
    labels = jnp.where(anchor_max_iou >= POS_IOU, jnp.ones_like(labels), labels)
    # NOTE: the original subsampling scatters -1 at `positive_indices[max:]` AFTER slicing
    # positive_indices to length max, so the update index set is empty -> a no-op. Replicated.
    target_anchors = encode_bboxes(anchors, gt_bboxes[anchor_max_iou_indices])
    pos_mask = inside & (labels == 1)
    rpn_w_in = jnp.where(pos_mask[:, None], 1.0, 0.0) * jnp.ones((num_anchors, 4), jnp.float32)
    valid = inside & (labels >= 0)
    num_valid = jnp.sum(valid.astype(jnp.float32))
    rpn_w_out = jnp.where(valid[:, None], 1.0 / num_valid, 0.0) * jnp.ones((num_anchors, 4), jnp.float32)
    # _mapping: 1-D branch uses ones*filled_value(-1); 2-D branch uses plain ones (original bug, replicated)
    out_labels = jnp.where(inside, labels.astype(jnp.float32), jnp.ones((num_anchors,), jnp.float32) * -1.0)
    out_targets = jnp.where(inside[:, None], target_anchors, jnp.ones((num_anchors, 4), jnp.float32))
    out_w_in = jnp.where(inside[:, None], rpn_w_in, jnp.ones((num_anchors, 4), jnp.float32))
    out_w_out = jnp.where(inside[:, None], rpn_w_out, jnp.ones((num_anchors, 4), jnp.float32))
    sg = jax.lax.stop_gradient
    return (sg(out_labels), sg(out_targets), sg(out_w_in), sg(out_w_out))

if __name__ == "__main__":
    import jax
    _d = setup_inputs()
    print(jax.jit(kernel)(*tuple(_d.values())))

</pallas_src>

<mosaic_0001>
#map = affine_map<(d0, d1) -> (0)>
module attributes {stable_mosaic.version = 14 : i64} {
  func.func @_pass1_body(%arg0: i32, %arg1: i32, %arg2: memref<80000xf32, #tpu.memory_space<hbm>>, %arg3: memref<256xf32, #tpu.memory_space<hbm>>, %arg4: memref<32xf32, #tpu.memory_space<hbm>>, %arg5: memref<20000xf32, #tpu.memory_space<hbm>>, %arg6: memref<20000xf32, #tpu.memory_space<hbm>>, %arg7: memref<20000xf32, #tpu.memory_space<hbm>>, %arg8: memref<20000xf32, #tpu.memory_space<hbm>>, %arg9: memref<20000xf32, #tpu.memory_space<hbm>>, %arg10: memref<20000xf32, #tpu.memory_space<hbm>>, %arg11: memref<20000xf32, #tpu.memory_space<hbm>>, %arg12: memref<512xf32, #tpu.memory_space<hbm>>, %arg13: memref<640xf32, #tpu.memory_space<vmem>>, %arg14: memref<640xf32, #tpu.memory_space<vmem>>, %arg15: memref<640xf32, #tpu.memory_space<vmem>>, %arg16: memref<640xf32, #tpu.memory_space<vmem>>, %arg17: memref<256xf32, #tpu.memory_space<vmem>>, %arg18: memref<64xf32, #tpu.memory_space<vmem>>, %arg19: memref<64xf32, #tpu.memory_space<vmem>>, %arg20: memref<64xf32, #tpu.memory_space<vmem>>, %arg21: memref<64xf32, #tpu.memory_space<vmem>>, %arg22: memref<64xf32, #tpu.memory_space<vmem>>, %arg23: memref<640xf32, #tpu.memory_space<vmem>>, %arg24: memref<640xf32, #tpu.memory_space<vmem>>, %arg25: memref<640xf32, #tpu.memory_space<vmem>>, %arg26: memref<640xf32, #tpu.memory_space<vmem>>, %arg27: memref<640xf32, #tpu.memory_space<vmem>>, %arg28: memref<640xf32, #tpu.memory_space<vmem>>, %arg29: memref<640xf32, #tpu.memory_space<vmem>>, %arg30: memref<32xf32, #tpu.memory_space<vmem>>, %arg31: memref<16xf32, #tpu.memory_space<vmem>>, %arg32: memref<!tpu.dma_semaphore, #tpu.memory_space<semaphore_mem>>) attributes {dimension_semantics = [#tpu.dimension_semantics<core_parallel>, #tpu.dimension_semantics<subcore_parallel>], iteration_bounds = array<i64: 2, 16>, scalar_prefetch = 0 : i64, scratch_operands = 20 : i64, tpu.core_type = #tpu.core_type<sc_vector_subcore>, window_params = [{transform_indices = #map}, {transform_indices = #map}, {transform_indices = #map}, {transform_indices = #map}, {transform_indices = #map}, {transform_indices = #map}, {transform_indices = #map}, {transform_indices = #map}, {transform_indices = #map}, {transform_indices = #map}, {transform_indices = #map}]} {
    %mul3A = arith.constant 2 : i32
    %mul3A_0 = arith.muli %arg1, %mul3A : i32
    %add3A = arith.addi %mul3A_0, %arg0 : i32
    %mul3A_1 = arith.constant 624 : i32
    %mul3A_2 = arith.muli %add3A, %mul3A_1 : i32
    %lt3A = arith.constant 2 : i32
    %lt3A_3 = arith.cmpi slt, %add3A, %lt3A : i32
    %add3A_4 = arith.constant 0 : i32
    %add3A_5 = arith.addi %add3A_4, %mul3A_2 : i32
    %dma_start3A = arith.constant 0 : i32
    %dma_start3A_6 = tpu.memref_slice %arg13[%dma_start3A] : memref<640xf32, #tpu.memory_space<vmem>> -> memref<624xf32, #tpu.memory_space<vmem>>
    %dma_start3A_7 = tpu.memref_slice %arg2[%add3A_5] : memref<80000xf32, #tpu.memory_space<hbm>> -> memref<624xf32, #tpu.memory_space<hbm>>
    %dma_start3A_8 = arith.constant 0 : i32
    %dma_start3A_9 = tpu.memref_slice %arg13[%dma_start3A_8] : memref<640xf32, #tpu.memory_space<vmem>> -> memref<624xf32, #tpu.memory_space<vmem>>
    %dma_start3A_10 = tpu.memref_slice %arg2[%add3A_5] : memref<80000xf32, #tpu.memory_space<hbm>> -> memref<624xf32, #tpu.memory_space<hbm>>
    tpu.enqueue_dma source(%dma_start3A_10 : memref<624xf32, #tpu.memory_space<hbm>>) target(%dma_start3A_9 : memref<624xf32, #tpu.memory_space<vmem>>) target_semaphore(%arg32 : memref<!tpu.dma_semaphore, #tpu.memory_space<semaphore_mem>>)
    %add3A_11 = arith.constant 20000 : i32
    %add3A_12 = arith.addi %add3A_11, %mul3A_2 : i32
    %dma_start3A_13 = arith.constant 0 : i32
    %dma_start3A_14 = tpu.memref_slice %arg14[%dma_start3A_13] : memref<640xf32, #tpu.memory_space<vmem>> -> memref<624xf32, #tpu.memory_space<vmem>>
    %dma_start3A_15 = tpu.memref_slice %arg2[%add3A_12] : memref<80000xf32, #tpu.memory_space<hbm>> -> memref<624xf32, #tpu.memory_space<hbm>>
    %dma_start3A_16 = arith.constant 0 : i32
    %dma_start3A_17 = tpu.memref_slice %arg14[%dma_start3A_16] : memref<640xf32, #tpu.memory_space<vmem>> -> memref<624xf32, #tpu.memory_space<vmem>>
    %dma_start3A_18 = tpu.memref_slice %arg2[%add3A_12] : memref<80000xf32, #tpu.memory_space<hbm>> -> memref<624xf32, #tpu.memory_space<hbm>>
    tpu.enqueue_dma source(%dma_start3A_18 : memref<624xf32, #tpu.memory_space<hbm>>) target(%dma_start3A_17 : memref<624xf32, #tpu.memory_space<vmem>>) target_semaphore(%arg32 : memref<!tpu.dma_semaphore, #tpu.memory_space<semaphore_mem>>)
    %add3A_19 = arith.constant 40000 : i32
    %add3A_20 = arith.addi %add3A_19, %mul3A_2 : i32
    %dma_start3A_21 = arith.constant 0 : i32
    %dma_start3A_22 = tpu.memref_slice %arg15[%dma_start3A_21] : memref<640xf32, #tpu.memory_space<vmem>> -> memref<624xf32, #tpu.memory_space<vmem>>
    %dma_start3A_23 = tpu.memref_slice %arg2[%add3A_20] : memref<80000xf32, #tpu.memory_space<hbm>> -> memref<624xf32, #tpu.memory_space<hbm>>
    %dma_start3A_24 = arith.constant 0 : i32
    %dma_start3A_25 = tpu.memref_slice %arg15[%dma_start3A_24] : memref<640xf32, #tpu.memory_space<vmem>> -> memref<624xf32, #tpu.memory_space<vmem>>
    %dma_start3A_26 = tpu.memref_slice %arg2[%add3A_20] : memref<80000xf32, #tpu.memory_space<hbm>> -> memref<624xf32, #tpu.memory_space<hbm>>
    tpu.enqueue_dma source(%dma_start3A_26 : memref<624xf32, #tpu.memory_space<hbm>>) target(%dma_start3A_25 : memref<624xf32, #tpu.memory_space<vmem>>) target_semaphore(%arg32 : memref<!tpu.dma_semaphore, #tpu.memory_space<semaphore_mem>>)
    %add3A_27 = arith.constant 60000 : i32
    %add3A_28 = arith.addi %add3A_27, %mul3A_2 : i32
    %dma_start3A_29 = arith.constant 0 : i32
    %dma_start3A_30 = tpu.memref_slice %arg16[%dma_start3A_29] : memref<640xf32, #tpu.memory_space<vmem>> -> memref<624xf32, #tpu.memory_space<vmem>>
    %dma_start3A_31 = tpu.memref_slice %arg2[%add3A_28] : memref<80000xf32, #tpu.memory_space<hbm>> -> memref<624xf32, #tpu.memory_space<hbm>>
    %dma_start3A_32 = arith.constant 0 : i32
    %dma_start3A_33 = tpu.memref_slice %arg16[%dma_start3A_32] : memref<640xf32, #tpu.memory_space<vmem>> -> memref<624xf32, #tpu.memory_space<vmem>>
    %dma_start3A_34 = tpu.memref_slice %arg2[%add3A_28] : memref<80000xf32, #tpu.memory_space<hbm>> -> memref<624xf32, #tpu.memory_space<hbm>>
    tpu.enqueue_dma source(%dma_start3A_34 : memref<624xf32, #tpu.memory_space<hbm>>) target(%dma_start3A_33 : memref<624xf32, #tpu.memory_space<vmem>>) target_semaphore(%arg32 : memref<!tpu.dma_semaphore, #tpu.memory_space<semaphore_mem>>)
    tpu.enqueue_dma source(%arg3 : memref<256xf32, #tpu.memory_space<hbm>>) target(%arg17 : memref<256xf32, #tpu.memory_space<vmem>>) target_semaphore(%arg32 : memref<!tpu.dma_semaphore, #tpu.memory_space<semaphore_mem>>)
    tpu.enqueue_dma source(%arg4 : memref<32xf32, #tpu.memory_space<hbm>>) target(%arg30 : memref<32xf32, #tpu.memory_space<vmem>>) target_semaphore(%arg32 : memref<!tpu.dma_semaphore, #tpu.memory_space<semaphore_mem>>)
    %convert_element_type3A = arith.extui %lt3A_3 : i1 to i32
    %cond3A = arith.constant 0 : i32
    %cond3A_35 = arith.cmpi ne, %convert_element_type3A, %cond3A : i32
    scf.if %cond3A_35 {
      %mul3A_283 = arith.constant 16 : i32
      %mul3A_284 = arith.muli %add3A, %mul3A_283 : i32
      %add3A_285 = arith.constant 19968 : i32
      %add3A_286 = arith.addi %add3A_285, %mul3A_284 : i32
      %add3A_287 = arith.constant 0 : i32
      %add3A_288 = arith.addi %add3A_287, %add3A_286 : i32
      %dma_start3A_289 = arith.constant 624 : i32
      %dma_start3A_290 = tpu.memref_slice %arg13[%dma_start3A_289] : memref<640xf32, #tpu.memory_space<vmem>> -> memref<16xf32, #tpu.memory_space<vmem>>
      %dma_start3A_291 = tpu.memref_slice %arg2[%add3A_288] : memref<80000xf32, #tpu.memory_space<hbm>> -> memref<16xf32, #tpu.memory_space<hbm>>
      %dma_start3A_292 = arith.constant 624 : i32
      %dma_start3A_293 = tpu.memref_slice %arg13[%dma_start3A_292] : memref<640xf32, #tpu.memory_space<vmem>> -> memref<16xf32, #tpu.memory_space<vmem>>
      %dma_start3A_294 = tpu.memref_slice %arg2[%add3A_288] : memref<80000xf32, #tpu.memory_space<hbm>> -> memref<16xf32, #tpu.memory_space<hbm>>
      tpu.enqueue_dma source(%dma_start3A_294 : memref<16xf32, #tpu.memory_space<hbm>>) target(%dma_start3A_293 : memref<16xf32, #tpu.memory_space<vmem>>) target_semaphore(%arg32 : memref<!tpu.dma_semaphore, #tpu.memory_space<semaphore_mem>>)
      %dma_wait3A_295 = arith.constant 624 : i32
      %dma_wait3A_296 = tpu.memref_slice %arg13[%dma_wait3A_295] : memref<640xf32, #tpu.memory_space<vmem>> -> memref<16xf32, #tpu.memory_space<vmem>>
      %dma_wait3A_297 = tpu.memref_slice %arg2[%add3A_288] : memref<80000xf32, #tpu.memory_space<hbm>> -> memref<16xf32, #tpu.memory_space<hbm>>
      %dma_wait3A_298 = arith.constant 624 : i32
      %dma_wait3A_299 = tpu.memref_slice %arg13[%dma_wait3A_298] : memref<640xf32, #tpu.memory_space<vmem>> -> memref<16xf32, #tpu.memory_space<vmem>>
      %dma_wait3A_300 = tpu.memref_slice %arg2[%add3A_288] : memref<80000xf32, #tpu.memory_space<hbm>> -> memref<16xf32, #tpu.memory_space<hbm>>
      tpu.wait_dma2 semaphore(%arg32 : memref<!tpu.dma_semaphore, #tpu.memory_space<semaphore_mem>>) src(%dma_wait3A_300 : memref<16xf32, #tpu.memory_space<hbm>>) dst(%dma_wait3A_299 : memref<16xf32, #tpu.memory_space<vmem>>)
      %add3A_301 = arith.constant 20000 : i32
      %add3A_302 = arith.addi %add3A_301, %add3A_286 : i32
      %dma_start3A_303 = arith.constant 624 : i32
      %dma_start3A_304 = tpu.memref_slice %arg14[%dma_start3A_303] : memref<640xf32, #tpu.memory_space<vmem>> -> memref<16xf32, #tpu.memory_space<vmem>>
      %dma_start3A_305 = tpu.memref_slice %arg2[%add3A_302] : memref<80000xf32, #tpu.memory_space<hbm>> -> memref<16xf32, #tpu.memory_space<hbm>>
      %dma_start3A_306 = arith.constant 624 : i32
      %dma_start3A_307 = tpu.memref_slice %arg14[%dma_start3A_306] : memref<640xf32, #tpu.memory_space<vmem>> -> memref<16xf32, #tpu.memory_space<vmem>>
      %dma_start3A_308 = tpu.memref_slice %arg2[%add3A_302] : memref<80000xf32, #tpu.memory_space<hbm>> -> memref<16xf32, #tpu.memory_space<hbm>>
      tpu.enqueue_dma source(%dma_start3A_308 : memref<16xf32, #tpu.memory_space<hbm>>) target(%dma_start3A_307 : memref<16xf32, #tpu.memory_space<vmem>>) target_semaphore(%arg32 : memref<!tpu.dma_semaphore, #tpu.memory_space<semaphore_mem>>)
      %dma_wait3A_309 = arith.constant 624 : i32
      %dma_wait3A_310 = tpu.memref_slice %arg14[%dma_wait3A_309] : memref<640xf32, #tpu.memory_space<vmem>> -> memref<16xf32, #tpu.memory_space<vmem>>
      %dma_wait3A_311 = tpu.memref_slice %arg2[%add3A_302] : memref<80000xf32, #tpu.memory_space<hbm>> -> memref<16xf32, #tpu.memory_space<hbm>>
      %dma_wait3A_312 = arith.constant 624 : i32
      %dma_wait3A_313 = tpu.memref_slice %arg14[%dma_wait3A_312] : memref<640xf32, #tpu.memory_space<vmem>> -> memref<16xf32, #tpu.memory_space<vmem>>
      %dma_wait3A_314 = tpu.memref_slice %arg2[%add3A_302] : memref<80000xf32, #tpu.memory_space<hbm>> -> memref<16xf32, #tpu.memory_space<hbm>>
      tpu.wait_dma2 semaphore(%arg32 : memref<!tpu.dma_semaphore, #tpu.memory_space<semaphore_mem>>) src(%dma_wait3A_314 : memref<16xf32, #tpu.memory_space<hbm>>) dst(%dma_wait3A_313 : memref<16xf32, #tpu.memory_space<vmem>>)
      %add3A_315 = arith.constant 40000 : i32
      %add3A_316 = arith.addi %add3A_315, %add3A_286 : i32
      %dma_start3A_317 = arith.constant 624 : i32
      %dma_start3A_318 = tpu.memref_slice %arg15[%dma_start3A_317] : memref<640xf32, #tpu.memory_space<vmem>> -> memref<16xf32, #tpu.memory_space<vmem>>
      %dma_start3A_319 = tpu.memref_slice %arg2[%add3A_316] : memref<80000xf32, #tpu.memory_space<hbm>> -> memref<16xf32, #tpu.memory_space<hbm>>
      %dma_start3A_320 = arith.constant 624 : i32
      %dma_start3A_321 = tpu.memref_slice %arg15[%dma_start3A_320] : memref<640xf32, #tpu.memory_space<vmem>> -> memref<16xf32, #tpu.memory_space<vmem>>
      %dma_start3A_322 = tpu.memref_slice %arg2[%add3A_316] : memref<80000xf32, #tpu.memory_space<hbm>> -> memref<16xf32, #tpu.memory_space<hbm>>
      tpu.enqueue_dma source(%dma_start3A_322 : memref<16xf32, #tpu.memory_space<hbm>>) target(%dma_start3A_321 : memref<16xf32, #tpu.memory_space<vmem>>) target_semaphore(%arg32 : memref<!tpu.dma_semaphore, #tpu.memory_space<semaphore_mem>>)
      %dma_wait3A_323 = arith.constant 624 : i32
      %dma_wait3A_324 = tpu.memref_slice %arg15[%dma_wait3A_323] : memref<640xf32, #tpu.memory_space<vmem>> -> memref<16xf32, #tpu.memory_space<vmem>>
      %dma_wait3A_325 = tpu.memref_slice %arg2[%add3A_316] : memref<80000xf32, #tpu.memory_space<hbm>> -> memref<16xf32, #tpu.memory_space<hbm>>
      %dma_wait3A_326 = arith.constant 624 : i32
      %dma_wait3A_327 = tpu.memref_slice %arg15[%dma_wait3A_326] : memref<640xf32, #tpu.memory_space<vmem>> -> memref<16xf32, #tpu.memory_space<vmem>>
      %dma_wait3A_328 = tpu.memref_slice %arg2[%add3A_316] : memref<80000xf32, #tpu.memory_space<hbm>> -> memref<16xf32, #tpu.memory_space<hbm>>
      tpu.wait_dma2 semaphore(%arg32 : memref<!tpu.dma_semaphore, #tpu.memory_space<semaphore_mem>>) src(%dma_wait3A_328 : memref<16xf32, #tpu.memory_space<hbm>>) dst(%dma_wait3A_327 : memref<16xf32, #tpu.memory_space<vmem>>)
      %add3A_329 = arith.constant 60000 : i32
      %add3A_330 = arith.addi %add3A_329, %add3A_286 : i32
      %dma_start3A_331 = arith.constant 624 : i32
      %dma_start3A_332 = tpu.memref_slice %arg16[%dma_start3A_331] : memref<640xf32, #tpu.memory_space<vmem>> -> memref<16xf32, #tpu.memory_space<vmem>>
      %dma_start3A_333 = tpu.memref_slice %arg2[%add3A_330] : memref<80000xf32, #tpu.memory_space<hbm>> -> memref<16xf32, #tpu.memory_space<hbm>>
      %dma_start3A_334 = arith.constant 624 : i32
      %dma_start3A_335 = tpu.memref_slice %arg16[%dma_start3A_334] : memref<640xf32, #tpu.memory_space<vmem>> -> memref<16xf32, #tpu.memory_space<vmem>>
      %dma_start3A_336 = tpu.memref_slice %arg2[%add3A_330] : memref<80000xf32, #tpu.memory_space<hbm>> -> memref<16xf32, #tpu.memory_space<hbm>>
      tpu.enqueue_dma source(%dma_start3A_336 : memref<16xf32, #tpu.memory_space<hbm>>) target(%dma_start3A_335 : memref<16xf32, #tpu.memory_space<vmem>>) target_semaphore(%arg32 : memref<!tpu.dma_semaphore, #tpu.memory_space<semaphore_mem>>)
      %dma_wait3A_337 = arith.constant 624 : i32
      %dma_wait3A_338 = tpu.memref_slice %arg16[%dma_wait3A_337] : memref<640xf32, #tpu.memory_space<vmem>> -> memref<16xf32, #tpu.memory_space<vmem>>
      %dma_wait3A_339 = tpu.memref_slice %arg2[%add3A_330] : memref<80000xf32, #tpu.memory_space<hbm>> -> memref<16xf32, #tpu.memory_space<hbm>>
      %dma_wait3A_340 = arith.constant 624 : i32
      %dma_wait3A_341 = tpu.memref_slice %arg16[%dma_wait3A_340] : memref<640xf32, #tpu.memory_space<vmem>> -> memref<16xf32, #tpu.memory_space<vmem>>
      %dma_wait3A_342 = tpu.memref_slice %arg2[%add3A_330] : memref<80000xf32, #tpu.memory_space<hbm>> -> memref<16xf32, #tpu.memory_space<hbm>>
      tpu.wait_dma2 semaphore(%arg32 : memref<!tpu.dma_semaphore, #tpu.memory_space<semaphore_mem>>) src(%dma_wait3A_342 : memref<16xf32, #tpu.memory_space<hbm>>) dst(%dma_wait3A_341 : memref<16xf32, #tpu.memory_space<vmem>>)
    } else {
    }
    %dma_wait3A = arith.constant 0 : i32
    %dma_wait3A_36 = tpu.memref_slice %arg13[%dma_wait3A] : memref<640xf32, #tpu.memory_space<vmem>> -> memref<624xf32, #tpu.memory_space<vmem>>
    %dma_wait3A_37 = tpu.memref_slice %arg2[%add3A_5] : memref<80000xf32, #tpu.memory_space<hbm>> -> memref<624xf32, #tpu.memory_space<hbm>>
    %dma_wait3A_38 = arith.constant 0 : i32
    %dma_wait3A_39 = tpu.memref_slice %arg13[%dma_wait3A_38] : memref<640xf32, #tpu.memory_space<vmem>> -> memref<624xf32, #tpu.memory_space<vmem>>
    %dma_wait3A_40 = tpu.memref_slice %arg2[%add3A_5] : memref<80000xf32, #tpu.memory_space<hbm>> -> memref<624xf32, #tpu.memory_space<hbm>>
    tpu.wait_dma2 semaphore(%arg32 : memref<!tpu.dma_semaphore, #tpu.memory_space<semaphore_mem>>) src(%dma_wait3A_40 : memref<624xf32, #tpu.memory_space<hbm>>) dst(%dma_wait3A_39 : memref<624xf32, #tpu.memory_space<vmem>>)
    %dma_wait3A_41 = arith.constant 0 : i32
    %dma_wait3A_42 = tpu.memref_slice %arg14[%dma_wait3A_41] : memref<640xf32, #tpu.memory_space<vmem>> -> memref<624xf32, #tpu.memory_space<vmem>>
    %dma_wait3A_43 = tpu.memref_slice %arg2[%add3A_12] : memref<80000xf32, #tpu.memory_space<hbm>> -> memref<624xf32, #tpu.memory_space<hbm>>
    %dma_wait3A_44 = arith.constant 0 : i32
    %dma_wait3A_45 = tpu.memref_slice %arg14[%dma_wait3A_44] : memref<640xf32, #tpu.memory_space<vmem>> -> memref<624xf32, #tpu.memory_space<vmem>>
    %dma_wait3A_46 = tpu.memref_slice %arg2[%add3A_12] : memref<80000xf32, #tpu.memory_space<hbm>> -> memref<624xf32, #tpu.memory_space<hbm>>
    tpu.wait_dma2 semaphore(%arg32 : memref<!tpu.dma_semaphore, #tpu.memory_space<semaphore_mem>>) src(%dma_wait3A_46 : memref<624xf32, #tpu.memory_space<hbm>>) dst(%dma_wait3A_45 : memref<624xf32, #tpu.memory_space<vmem>>)
    %dma_wait3A_47 = arith.constant 0 : i32
    %dma_wait3A_48 = tpu.memref_slice %arg15[%dma_wait3A_47] : memref<640xf32, #tpu.memory_space<vmem>> -> memref<624xf32, #tpu.memory_space<vmem>>
    %dma_wait3A_49 = tpu.memref_slice %arg2[%add3A_20] : memref<80000xf32, #tpu.memory_space<hbm>> -> memref<624xf32, #tpu.memory_space<hbm>>
    %dma_wait3A_50 = arith.constant 0 : i32
    %dma_wait3A_51 = tpu.memref_slice %arg15[%dma_wait3A_50] : memref<640xf32, #tpu.memory_space<vmem>> -> memref<624xf32, #tpu.memory_space<vmem>>
    %dma_wait3A_52 = tpu.memref_slice %arg2[%add3A_20] : memref<80000xf32, #tpu.memory_space<hbm>> -> memref<624xf32, #tpu.memory_space<hbm>>
    tpu.wait_dma2 semaphore(%arg32 : memref<!tpu.dma_semaphore, #tpu.memory_space<semaphore_mem>>) src(%dma_wait3A_52 : memref<624xf32, #tpu.memory_space<hbm>>) dst(%dma_wait3A_51 : memref<624xf32, #tpu.memory_space<vmem>>)
    %dma_wait3A_53 = arith.constant 0 : i32
    %dma_wait3A_54 = tpu.memref_slice %arg16[%dma_wait3A_53] : memref<640xf32, #tpu.memory_space<vmem>> -> memref<624xf32, #tpu.memory_space<vmem>>
    %dma_wait3A_55 = tpu.memref_slice %arg2[%add3A_28] : memref<80000xf32, #tpu.memory_space<hbm>> -> memref<624xf32, #tpu.memory_space<hbm>>
    %dma_wait3A_56 = arith.constant 0 : i32
    %dma_wait3A_57 = tpu.memref_slice %arg16[%dma_wait3A_56] : memref<640xf32, #tpu.memory_space<vmem>> -> memref<624xf32, #tpu.memory_space<vmem>>
    %dma_wait3A_58 = tpu.memref_slice %arg2[%add3A_28] : memref<80000xf32, #tpu.memory_space<hbm>> -> memref<624xf32, #tpu.memory_space<hbm>>
    tpu.wait_dma2 semaphore(%arg32 : memref<!tpu.dma_semaphore, #tpu.memory_space<semaphore_mem>>) src(%dma_wait3A_58 : memref<624xf32, #tpu.memory_space<hbm>>) dst(%dma_wait3A_57 : memref<624xf32, #tpu.memory_space<vmem>>)
    tpu.wait_dma2 semaphore(%arg32 : memref<!tpu.dma_semaphore, #tpu.memory_space<semaphore_mem>>) src(%arg3 : memref<256xf32, #tpu.memory_space<hbm>>) dst(%arg17 : memref<256xf32, #tpu.memory_space<vmem>>)
    tpu.wait_dma2 semaphore(%arg32 : memref<!tpu.dma_semaphore, #tpu.memory_space<semaphore_mem>>) src(%arg4 : memref<32xf32, #tpu.memory_space<hbm>>) dst(%arg30 : memref<32xf32, #tpu.memory_space<vmem>>)
    %iota3A = tpu.iota {dimensions = array<i32: 0>} : vector<16xi32>
    %get3A = arith.constant 0 : index
    %get3A_59 = tpu.vector_load %arg17[%get3A] {strides = array<i32>} : memref<256xf32, #tpu.memory_space<vmem>>, vector<16xf32>,
    %get3A_60 = arith.constant 64 : index
    %get3A_61 = tpu.vector_load %arg17[%get3A_60] {strides = array<i32>} : memref<256xf32, #tpu.memory_space<vmem>>, vector<16xf32>,
    %get3A_62 = arith.constant 128 : index
    %get3A_63 = tpu.vector_load %arg17[%get3A_62] {strides = array<i32>} : memref<256xf32, #tpu.memory_space<vmem>>, vector<16xf32>,
    %get3A_64 = arith.constant 192 : index
    %get3A_65 = tpu.vector_load %arg17[%get3A_64] {strides = array<i32>} : memref<256xf32, #tpu.memory_space<vmem>>, vector<16xf32>,
    %sub3A = arith.subf %get3A_63, %get3A_59 : vector<16xf32>
    %sub3A_66 = arith.subf %get3A_65, %get3A_61 : vector<16xf32>
    %mul3A_67 = arith.mulf %sub3A, %sub3A_66 : vector<16xf32>
    %swap3A = arith.constant 0 : index
    %swap3A_68 = tpu.vector_load %arg18[%swap3A] {strides = array<i32>} : memref<64xf32, #tpu.memory_space<vmem>>, vector<16xf32>,
    tpu.vector_store %arg18[%swap3A], %mul3A_67 {strides = array<i32>} : memref<64xf32, #tpu.memory_space<vmem>>, vector<16xf32>,
    %swap3A_69 = arith.constant 0 : index
    %swap3A_70 = tpu.vector_load %arg19[%swap3A_69] {strides = array<i32>} : memref<64xf32, #tpu.memory_space<vmem>>, vector<16xf32>,
    tpu.vector_store %arg19[%swap3A_69], %sub3A {strides = array<i32>} : memref<64xf32, #tpu.memory_space<vmem>>, vector<16xf32>,
    %swap3A_71 = arith.constant 0 : index
    %swap3A_72 = tpu.vector_load %arg20[%swap3A_71] {strides = array<i32>} : memref<64xf32, #tpu.memory_space<vmem>>, vector<16xf32>,
    tpu.vector_store %arg20[%swap3A_71], %sub3A_66 {strides = array<i32>} : memref<64xf32, #tpu.memory_space<vmem>>, vector<16xf32>,
    %mul3A_73 = arith.constant 5.000000e-01 : f32
    %mul3A_74 = vector.broadcast %mul3A_73 : f32 to vector<16xf32>
    %mul3A_75 = arith.mulf %mul3A_74, %sub3A : vector<16xf32>
    %add3A_76 = arith.addf %get3A_59, %mul3A_75 : vector<16xf32>
    %swap3A_77 = arith.constant 0 : index
    %swap3A_78 = tpu.vector_load %arg21[%swap3A_77] {strides = array<i32>} : memref<64xf32, #tpu.memory_space<vmem>>, vector<16xf32>,
    tpu.vector_store %arg21[%swap3A_77], %add3A_76 {strides = array<i32>} : memref<64xf32, #tpu.memory_space<vmem>>, vector<16xf32>,
    %mul3A_79 = arith.constant 5.000000e-01 : f32
    %mul3A_80 = vector.broadcast %mul3A_79 : f32 to vector<16xf32>
    %mul3A_81 = arith.mulf %mul3A_80, %sub3A_66 : vector<16xf32>
    %add3A_82 = arith.addf %get3A_61, %mul3A_81 : vector<16xf32>
    %swap3A_83 = arith.constant 0 : index
    %swap3A_84 = tpu.vector_load %arg22[%swap3A_83] {strides = array<i32>} : memref<64xf32, #tpu.memory_space<vmem>>, vector<16xf32>,
    tpu.vector_store %arg22[%swap3A_83], %add3A_82 {strides = array<i32>} : memref<64xf32, #tpu.memory_space<vmem>>, vector<16xf32>,
    %get3A_85 = arith.constant 16 : index
    %get3A_86 = tpu.vector_load %arg17[%get3A_85] {strides = array<i32>} : memref<256xf32, #tpu.memory_space<vmem>>, vector<16xf32>,
    %get3A_87 = arith.constant 80 : index
    %get3A_88 = tpu.vector_load %arg17[%get3A_87] {strides = array<i32>} : memref<256xf32, #tpu.memory_space<vmem>>, vector<16xf32>,
    %get3A_89 = arith.constant 144 : index
    %get3A_90 = tpu.vector_load %arg17[%get3A_89] {strides = array<i32>} : memref<256xf32, #tpu.memory_space<vmem>>, vector<16xf32>,
    %get3A_91 = arith.constant 208 : index
    %get3A_92 = tpu.vector_load %arg17[%get3A_91] {strides = array<i32>} : memref<256xf32, #tpu.memory_space<vmem>>, vector<16xf32>,
    %sub3A_93 = arith.subf %get3A_90, %get3A_86 : vector<16xf32>
    %sub3A_94 = arith.subf %get3A_92, %get3A_88 : vector<16xf32>
    %mul3A_95 = arith.mulf %sub3A_93, %sub3A_94 : vector<16xf32>
    %swap3A_96 = arith.constant 16 : index
    %swap3A_97 = tpu.vector_load %arg18[%swap3A_96] {strides = array<i32>} : memref<64xf32, #tpu.memory_space<vmem>>, vector<16xf32>,
    tpu.vector_store %arg18[%swap3A_96], %mul3A_95 {strides = array<i32>} : memref<64xf32, #tpu.memory_space<vmem>>, vector<16xf32>,
    %swap3A_98 = arith.constant 16 : index
    %swap3A_99 = tpu.vector_load %arg19[%swap3A_98] {strides = array<i32>} : memref<64xf32, #tpu.memory_space<vmem>>, vector<16xf32>,
    tpu.vector_store %arg19[%swap3A_98], %sub3A_93 {strides = array<i32>} : memref<64xf32, #tpu.memory_space<vmem>>, vector<16xf32>,
    %swap3A_100 = arith.constant 16 : index
    %swap3A_101 = tpu.vector_load %arg20[%swap3A_100] {strides = array<i32>} : memref<64xf32, #tpu.memory_space<vmem>>, vector<16xf32>,
    tpu.vector_store %arg20[%swap3A_100], %sub3A_94 {strides = array<i32>} : memref<64xf32, #tpu.memory_space<vmem>>, vector<16xf32>,
    %mul3A_102 = arith.constant 5.000000e-01 : f32
    %mul3A_103 = vector.broadcast %mul3A_102 : f32 to vector<16xf32>
    %mul3A_104 = arith.mulf %mul3A_103, %sub3A_93 : vector<16xf32>
    %add3A_105 = arith.addf %get3A_86, %mul3A_104 : vector<16xf32>
    %swap3A_106 = arith.constant 16 : index
    %swap3A_107 = tpu.vector_load %arg21[%swap3A_106] {strides = array<i32>} : memref<64xf32, #tpu.memory_space<vmem>>, vector<16xf32>,
    tpu.vector_store %arg21[%swap3A_106], %add3A_105 {strides = array<i32>} : memref<64xf32, #tpu.memory_space<vmem>>, vector<16xf32>,
    %mul3A_108 = arith.constant 5.000000e-01 : f32
    %mul3A_109 = vector.broadcast %mul3A_108 : f32 to vector<16xf32>
    %mul3A_110 = arith.mulf %mul3A_109, %sub3A_94 : vector<16xf32>
    %add3A_111 = arith.addf %get3A_88, %mul3A_110 : vector<16xf32>
    %swap3A_112 = arith.constant 16 : index
    %swap3A_113 = tpu.vector_load %arg22[%swap3A_112] {strides = array<i32>} : memref<64xf32, #tpu.memory_space<vmem>>, vector<16xf32>,
    tpu.vector_store %arg22[%swap3A_112], %add3A_111 {strides = array<i32>} : memref<64xf32, #tpu.memory_space<vmem>>, vector<16xf32>,
    %get3A_114 = arith.constant 32 : index
    %get3A_115 = tpu.vector_load %arg17[%get3A_114] {strides = array<i32>} : memref<256xf32, #tpu.memory_space<vmem>>, vector<16xf32>,
    %get3A_116 = arith.constant 96 : index
    %get3A_117 = tpu.vector_load %arg17[%get3A_116] {strides = array<i32>} : memref<256xf32, #tpu.memory_space<vmem>>, vector<16xf32>,
    %get3A_118 = arith.constant 160 : index
    %get3A_119 = tpu.vector_load %arg17[%get3A_118] {strides = array<i32>} : memref<256xf32, #tpu.memory_space<vmem>>, vector<16xf32>,
    %get3A_120 = arith.constant 224 : index
    %get3A_121 = tpu.vector_load %arg17[%get3A_120] {strides = array<i32>} : memref<256xf32, #tpu.memory_space<vmem>>, vector<16xf32>,
    %sub3A_122 = arith.subf %get3A_119, %get3A_115 : vector<16xf32>
    %sub3A_123 = arith.subf %get3A_121, %get3A_117 : vector<16xf32>
    %mul3A_124 = arith.mulf %sub3A_122, %sub3A_123 : vector<16xf32>
    %swap3A_125 = arith.constant 32 : index
    %swap3A_126 = tpu.vector_load %arg18[%swap3A_125] {strides = array<i32>} : memref<64xf32, #tpu.memory_space<vmem>>, vector<16xf32>,
    tpu.vector_store %arg18[%swap3A_125], %mul3A_124 {strides = array<i32>} : memref<64xf32, #tpu.memory_space<vmem>>, vector<16xf32>,
    %swap3A_127 = arith.constant 32 : index
    %swap3A_128 = tpu.vector_load %arg19[%swap3A_127] {strides = array<i32>} : memref<64xf32, #tpu.memory_space<vmem>>, vector<16xf32>,
    tpu.vector_store %arg19[%swap3A_127], %sub3A_122 {strides = array<i32>} : memref<64xf32, #tpu.memory_space<vmem>>, vector<16xf32>,
    %swap3A_129 = arith.constant 32 : index
    %swap3A_130 = tpu.vector_load %arg20[%swap3A_129] {strides = array<i32>} : memref<64xf32, #tpu.memory_space<vmem>>, vector<16xf32>,
    tpu.vector_store %arg20[%swap3A_129], %sub3A_123 {strides = array<i32>} : memref<64xf32, #tpu.memory_space<vmem>>, vector<16xf32>,
    %mul3A_131 = arith.constant 5.000000e-01 : f32
    %mul3A_132 = vector.broadcast %mul3A_131 : f32 to vector<16xf32>
    %mul3A_133 = arith.mulf %mul3A_132, %sub3A_122 : vector<16xf32>
    %add3A_134 = arith.addf %get3A_115, %mul3A_133 : vector<16xf32>
    %swap3A_135 = arith.constant 32 : index
    %swap3A_136 = tpu.vector_load %arg21[%swap3A_135] {strides = array<i32>} : memref<64xf32, #tpu.memory_space<vmem>>, vector<16xf32>,
    tpu.vector_store %arg21[%swap3A_135], %add3A_134 {strides = array<i32>} : memref<64xf32, #tpu.memory_space<vmem>>, vector<16xf32>,
    %mul3A_137 = arith.constant 5.000000e-01 : f32
    %mul3A_138 = vector.broadcast %mul3A_137 : f32 to vector<16xf32>
    %mul3A_139 = arith.mulf %mul3A_138, %sub3A_123 : vector<16xf32>
    %add3A_140 = arith.addf %get3A_117, %mul3A_139 : vector<16xf32>
    %swap3A_141 = arith.constant 32 : index
    %swap3A_142 = tpu.vector_load %arg22[%swap3A_141] {strides = array<i32>} : memref<64xf32, #tpu.memory_space<vmem>>, vector<16xf32>,
    tpu.vector_store %arg22[%swap3A_141], %add3A_140 {strides = array<i32>} : memref<64xf32, #tpu.memory_space<vmem>>, vector<16xf32>,
    %get3A_143 = arith.constant 48 : index
    %get3A_144 = tpu.vector_load %arg17[%get3A_143] {strides = array<i32>} : memref<256xf32, #tpu.memory_space<vmem>>, vector<16xf32>,
    %get3A_145 = arith.constant 112 : index
    %get3A_146 = tpu.vector_load %arg17[%get3A_145] {strides = array<i32>} : memref<256xf32, #tpu.memory_space<vmem>>, vector<16xf32>,
    %get3A_147 = arith.constant 176 : index
    %get3A_148 = tpu.vector_load %arg17[%get3A_147] {strides = array<i32>} : memref<256xf32, #tpu.memory_space<vmem>>, vector<16xf32>,
    %get3A_149 = arith.constant 240 : index
    %get3A_150 = tpu.vector_load %arg17[%get3A_149] {strides = array<i32>} : memref<256xf32, #tpu.memory_space<vmem>>, vector<16xf32>,
    %sub3A_151 = arith.subf %get3A_148, %get3A_144 : vector<16xf32>
    %sub3A_152 = arith.subf %get3A_150, %get3A_146 : vector<16xf32>
    %mul3A_153 = arith.mulf %sub3A_151, %sub3A_152 : vector<16xf32>
    %swap3A_154 = arith.constant 48 : index
    %swap3A_155 = tpu.vector_load %arg18[%swap3A_154] {strides = array<i32>} : memref<64xf32, #tpu.memory_space<vmem>>, vector<16xf32>,
    tpu.vector_store %arg18[%swap3A_154], %mul3A_153 {strides = array<i32>} : memref<64xf32, #tpu.memory_space<vmem>>, vector<16xf32>,
    %swap3A_156 = arith.constant 48 : index
    %swap3A_157 = tpu.vector_load %arg19[%swap3A_156] {strides = array<i32>} : memref<64xf32, #tpu.memory_space<vmem>>, vector<16xf32>,
    tpu.vector_store %arg19[%swap3A_156], %sub3A_151 {strides = array<i32>} : memref<64xf32, #tpu.memory_space<vmem>>, vector<16xf32>,
    %swap3A_158 = arith.constant 48 : index
    %swap3A_159 = tpu.vector_load %arg20[%swap3A_158] {strides = array<i32>} : memref<64xf32, #tpu.memory_space<vmem>>, vector<16xf32>,
    tpu.vector_store %arg20[%swap3A_158], %sub3A_152 {strides = array<i32>} : memref<64xf32, #tpu.memory_space<vmem>>, vector<16xf32>,
    %mul3A_160 = arith.constant 5.000000e-01 : f32
    %mul3A_161 = vector.broadcast %mul3A_160 : f32 to vector<16xf32>
    %mul3A_162 = arith.mulf %mul3A_161, %sub3A_151 : vector<16xf32>
    %add3A_163 = arith.addf %get3A_144, %mul3A_162 : vector<16xf32>
    %swap3A_164 = arith.constant 48 : index
    %swap3A_165 = tpu.vector_load %arg21[%swap3A_164] {strides = array<i32>} : memref<64xf32, #tpu.memory_space<vmem>>, vector<16xf32>,
    tpu.vector_store %arg21[%swap3A_164], %add3A_163 {strides = array<i32>} : memref<64xf32, #tpu.memory_space<vmem>>, vector<16xf32>,
    %mul3A_166 = arith.constant 5.000000e-01 : f32
    %mul3A_167 = vector.broadcast %mul3A_166 : f32 to vector<16xf32>
    %mul3A_168 = arith.mulf %mul3A_167, %sub3A_152 : vector<16xf32>
    %add3A_169 = arith.addf %get3A_146, %mul3A_168 : vector<16xf32>
    %swap3A_170 = arith.constant 48 : index
    %swap3A_171 = tpu.vector_load %arg22[%swap3A_170] {strides = array<i32>} : memref<64xf32, #tpu.memory_space<vmem>>, vector<16xf32>,
    tpu.vector_store %arg22[%swap3A_170], %add3A_169 {strides = array<i32>} : memref<64xf32, #tpu.memory_space<vmem>>, vector<16xf32>,
    %get3A_172 = arith.constant 0 : index
    %get3A_173 = tpu.vector_load %arg30[%get3A_172] {strides = array<i32>} : memref<32xf32, #tpu.memory_space<vmem>>, vector<16xf32>,
    %get3A_174 = arith.constant 16 : index
    %get3A_175 = tpu.vector_load %arg30[%get3A_174] {strides = array<i32>} : memref<32xf32, #tpu.memory_space<vmem>>, vector<16xf32>,
    %jit3A = arith.constant 40 : i32
    %jit3A_176 = arith.constant 39 : i32
    %select_n3A = arith.select %lt3A_3, %jit3A, %jit3A_176 : i32
    %broadcast_in_dim3A = arith.constant 0.000000e+00 : f32
    %broadcast_in_dim3A_177 = vector.broadcast %broadcast_in_dim3A : f32 to vector<16xf32>
    %while3A = arith.constant 0 : i32
    %while3A_178 = arith.subi %select_n3A, %while3A : i32
    %while3A_179 = arith.addi %while3A, %while3A_178 : i32
    %while3A_180 = arith.constant 1 : i32
    %while3A_181 = arith.divsi %while3A_178, %while3A_180 : i32
    %while3A_182 = arith.muli %while3A_181, %while3A_180 : i32
    %while3A_183 = arith.addi %while3A, %while3A_182 : i32
    %while3A_184 = arith.constant 1 : i32
    %while3A_185 = scf.for %while3A_283 = %while3A to %while3A_183 step %while3A_184 iter_args(%while3A_284 = %broadcast_in_dim3A_177) -> (vector<16xf32>)  : i32 {
      %mul3A_285 = arith.constant 16 : i32
      %mul3A_286 = arith.muli %while3A_283, %mul3A_285 : i32
      %get3A_287 = arith.index_cast %mul3A_286 : i32 to index
      %get3A_288 = tpu.vector_load %arg13[%get3A_287] {strides = array<i32>} : memref<640xf32, #tpu.memory_space<vmem>>, vector<16xf32>,
      %get3A_289 = arith.index_cast %mul3A_286 : i32 to index
      %get3A_290 = tpu.vector_load %arg14[%get3A_289] {strides = array<i32>} : memref<640xf32, #tpu.memory_space<vmem>>, vector<16xf32>,
      %get3A_291 = arith.index_cast %mul3A_286 : i32 to index
      %get3A_292 = tpu.vector_load %arg15[%get3A_291] {strides = array<i32>} : memref<640xf32, #tpu.memory_space<vmem>>, vector<16xf32>,
      %get3A_293 = arith.index_cast %mul3A_286 : i32 to index
      %get3A_294 = tpu.vector_load %arg16[%get3A_293] {strides = array<i32>} : memref<640xf32, #tpu.memory_space<vmem>>, vector<16xf32>,
      %sub3A_295 = arith.subf %get3A_292, %get3A_288 : vector<16xf32>
      %sub3A_296 = arith.subf %get3A_294, %get3A_290 : vector<16xf32>
      %mul3A_297 = arith.mulf %sub3A_295, %sub3A_296 : vector<16xf32>
      %ge3A = arith.constant 0.000000e+00 : f32
      %ge3A_298 = vector.broadcast %ge3A : f32 to vector<16xf32>
      %ge3A_299 = arith.cmpf oge, %get3A_288, %ge3A_298 : vector<16xf32>
      %ge3A_300 = arith.constant 0.000000e+00 : f32
      %ge3A_301 = vector.broadcast %ge3A_300 : f32 to vector<16xf32>
      %ge3A_302 = arith.cmpf oge, %get3A_290, %ge3A_301 : vector<16xf32>
      %and3A = arith.andi %ge3A_299, %ge3A_302 : vector<16xi1>
      %le3A = arith.cmpf ole, %get3A_292, %get3A_175 : vector<16xf32>
      %and3A_303 = arith.andi %and3A, %le3A : vector<16xi1>
      %le3A_304 = arith.cmpf ole, %get3A_294, %get3A_173 : vector<16xf32>
      %and3A_305 = arith.andi %and3A_303, %le3A_304 : vector<16xi1>
      %broadcast_in_dim3A_306 = arith.constant -1.000000e+00 : f32
      %broadcast_in_dim3A_307 = vector.broadcast %broadcast_in_dim3A_306 : f32 to vector<16xf32>
      %broadcast_in_dim3A_308 = arith.constant 0 : i32
      %broadcast_in_dim3A_309 = vector.broadcast %broadcast_in_dim3A_308 : i32 to vector<16xi32>
      %scan3A = arith.constant 0 : i32
      %scan3A_310 = arith.constant 16 : i32
      %scan3A_311 = arith.addi %scan3A, %scan3A_310 : i32
      %scan3A_312 = arith.constant 1 : i32
      %scan3A_313:2 = scf.for %scan3A_558 = %scan3A to %scan3A_311 step %scan3A_312 iter_args(%scan3A_559 = %broadcast_in_dim3A_307, %scan3A_560 = %broadcast_in_dim3A_309) -> (vector<16xf32>, vector<16xi32>)  : i32 {
        %mul3A_561 = arith.constant 4 : i32
        %mul3A_562 = arith.muli %scan3A_558, %mul3A_561 : i32
        %add3A_563 = arith.constant 0 : i32
        %add3A_564 = arith.addi %mul3A_562, %add3A_563 : i32
        %broadcast_in_dim3A_565 = vector.broadcast %add3A_564 : i32 to vector<16xi32>
        %gather3A_566 = tpu.vector_load_idx %arg17[%broadcast_in_dim3A_565] : memref<256xf32, #tpu.memory_space<vmem>>[vector<16xi32>], vector<16xf32>,
        %add3A_567 = arith.constant 64 : i32
        %add3A_568 = vector.broadcast %add3A_567 : i32 to vector<16xi32>
        %add3A_569 = arith.addi %broadcast_in_dim3A_565, %add3A_568 : vector<16xi32>
        %gather3A_570 = tpu.vector_load_idx %arg17[%add3A_569] : memref<256xf32, #tpu.memory_space<vmem>>[vector<16xi32>], vector<16xf32>,
        %add3A_571 = arith.constant 128 : i32
        %add3A_572 = vector.broadcast %add3A_571 : i32 to vector<16xi32>
        %add3A_573 = arith.addi %broadcast_in_dim3A_565, %add3A_572 : vector<16xi32>
        %gather3A_574 = tpu.vector_load_idx %arg17[%add3A_573] : memref<256xf32, #tpu.memory_space<vmem>>[vector<16xi32>], vector<16xf32>,
        %add3A_575 = arith.constant 192 : i32
        %add3A_576 = vector.broadcast %add3A_575 : i32 to vector<16xi32>
        %add3A_577 = arith.addi %broadcast_in_dim3A_565, %add3A_576 : vector<16xi32>
        %gather3A_578 = tpu.vector_load_idx %arg17[%add3A_577] : memref<256xf32, #tpu.memory_space<vmem>>[vector<16xi32>], vector<16xf32>,
        %gather3A_579 = tpu.vector_load_idx %arg18[%broadcast_in_dim3A_565] : memref<64xf32, #tpu.memory_space<vmem>>[vector<16xi32>], vector<16xf32>,
        %min3A = arith.minimumf %get3A_292, %gather3A_574 : vector<16xf32>
        %max3A = arith.maximumf %get3A_288, %gather3A_566 : vector<16xf32>
        %sub3A_580 = arith.subf %min3A, %max3A : vector<16xf32>
        %max3A_581 = arith.constant 0.000000e+00 : f32
        %max3A_582 = vector.broadcast %max3A_581 : f32 to vector<16xf32>
        %max3A_583 = arith.maximumf %sub3A_580, %max3A_582 : vector<16xf32>
        %min3A_584 = arith.minimumf %get3A_294, %gather3A_578 : vector<16xf32>
        %max3A_585 = arith.maximumf %get3A_290, %gather3A_570 : vector<16xf32>
        %sub3A_586 = arith.subf %min3A_584, %max3A_585 : vector<16xf32>
        %max3A_587 = arith.constant 0.000000e+00 : f32
        %max3A_588 = vector.broadcast %max3A_587 : f32 to vector<16xf32>
        %max3A_589 = arith.maximumf %sub3A_586, %max3A_588 : vector<16xf32>
        %mul3A_590 = arith.mulf %max3A_583, %max3A_589 : vector<16xf32>
        %add3A_591 = arith.addf %mul3A_297, %gather3A_579 : vector<16xf32>
        %sub3A_592 = arith.subf %add3A_591, %mul3A_590 : vector<16xf32>
        %div3A_593 = arith.divf %mul3A_590, %sub3A_592 : vector<16xf32>
        %add3A_594 = arith.constant 1 : i32
        %add3A_595 = arith.addi %mul3A_562, %add3A_594 : i32
        %broadcast_in_dim3A_596 = vector.broadcast %add3A_595 : i32 to vector<16xi32>
        %gather3A_597 = tpu.vector_load_idx %arg17[%broadcast_in_dim3A_596] : memref<256xf32, #tpu.memory_space<vmem>>[vector<16xi32>], vector<16xf32>,
        %add3A_598 = arith.constant 64 : i32
        %add3A_599 = vector.broadcast %add3A_598 : i32 to vector<16xi32>
        %add3A_600 = arith.addi %broadcast_in_dim3A_596, %add3A_599 : vector<16xi32>
        %gather3A_601 = tpu.vector_load_idx %arg17[%add3A_600] : memref<256xf32, #tpu.memory_space<vmem>>[vector<16xi32>], vector<16xf32>,
        %add3A_602 = arith.constant 128 : i32
        %add3A_603 = vector.broadcast %add3A_602 : i32 to vector<16xi32>
        %add3A_604 = arith.addi %broadcast_in_dim3A_596, %add3A_603 : vector<16xi32>
        %gather3A_605 = tpu.vector_load_idx %arg17[%add3A_604] : memref<256xf32, #tpu.memory_space<vmem>>[vector<16xi32>], vector<16xf32>,
        %add3A_606 = arith.constant 192 : i32
        %add3A_607 = vector.broadcast %add3A_606 : i32 to vector<16xi32>
        %add3A_608 = arith.addi %broadcast_in_dim3A_596, %add3A_607 : vector<16xi32>
        %gather3A_609 = tpu.vector_load_idx %arg17[%add3A_608] : memref<256xf32, #tpu.memory_space<vmem>>[vector<16xi32>], vector<16xf32>,
        %gather3A_610 = tpu.vector_load_idx %arg18[%broadcast_in_dim3A_596] : memref<64xf32, #tpu.memory_space<vmem>>[vector<16xi32>], vector<16xf32>,
        %min3A_611 = arith.minimumf %get3A_292, %gather3A_605 : vector<16xf32>
        %max3A_612 = arith.maximumf %get3A_288, %gather3A_597 : vector<16xf32>
        %sub3A_613 = arith.subf %min3A_611, %max3A_612 : vector<16xf32>
        %max3A_614 = arith.constant 0.000000e+00 : f32
        %max3A_615 = vector.broadcast %max3A_614 : f32 to vector<16xf32>
        %max3A_616 = arith.maximumf %sub3A_613, %max3A_615 : vector<16xf32>
        %min3A_617 = arith.minimumf %get3A_294, %gather3A_609 : vector<16xf32>
        %max3A_618 = arith.maximumf %get3A_290, %gather3A_601 : vector<16xf32>
        %sub3A_619 = arith.subf %min3A_617, %max3A_618 : vector<16xf32>
        %max3A_620 = arith.constant 0.000000e+00 : f32
        %max3A_621 = vector.broadcast %max3A_620 : f32 to vector<16xf32>
        %max3A_622 = arith.maximumf %sub3A_619, %max3A_621 : vector<16xf32>
        %mul3A_623 = arith.mulf %max3A_616, %max3A_622 : vector<16xf32>
        %add3A_624 = arith.addf %mul3A_297, %gather3A_610 : vector<16xf32>
        %sub3A_625 = arith.subf %add3A_624, %mul3A_623 : vector<16xf32>
        %div3A_626 = arith.divf %mul3A_623, %sub3A_625 : vector<16xf32>
        %add3A_627 = arith.constant 2 : i32
        %add3A_628 = arith.addi %mul3A_562, %add3A_627 : i32
        %broadcast_in_dim3A_629 = vector.broadcast %add3A_628 : i32 to vector<16xi32>
        %gather3A_630 = tpu.vector_load_idx %arg17[%broadcast_in_dim3A_629] : memref<256xf32, #tpu.memory_space<vmem>>[vector<16xi32>], vector<16xf32>,
        %add3A_631 = arith.constant 64 : i32
        %add3A_632 = vector.broadcast %add3A_631 : i32 to vector<16xi32>
        %add3A_633 = arith.addi %broadcast_in_dim3A_629, %add3A_632 : vector<16xi32>
        %gather3A_634 = tpu.vector_load_idx %arg17[%add3A_633] : memref<256xf32, #tpu.memory_space<vmem>>[vector<16xi32>], vector<16xf32>,
        %add3A_635 = arith.constant 128 : i32
        %add3A_636 = vector.broadcast %add3A_635 : i32 to vector<16xi32>
        %add3A_637 = arith.addi %broadcast_in_dim3A_629, %add3A_636 : vector<16xi32>
        %gather3A_638 = tpu.vector_load_idx %arg17[%add3A_637] : memref<256xf32, #tpu.memory_space<vmem>>[vector<16xi32>], vector<16xf32>,
        %add3A_639 = arith.constant 192 : i32
        %add3A_640 = vector.broadcast %add3A_639 : i32 to vector<16xi32>
        %add3A_641 = arith.addi %broadcast_in_dim3A_629, %add3A_640 : vector<16xi32>
        %gather3A_642 = tpu.vector_load_idx %arg17[%add3A_641] : memref<256xf32, #tpu.memory_space<vmem>>[vector<16xi32>], vector<16xf32>,
        %gather3A_643 = tpu.vector_load_idx %arg18[%broadcast_in_dim3A_629] : memref<64xf32, #tpu.memory_space<vmem>>[vector<16xi32>], vector<16xf32>,
        %min3A_644 = arith.minimumf %get3A_292, %gather3A_638 : vector<16xf32>
        %max3A_645 = arith.maximumf %get3A_288, %gather3A_630 : vector<16xf32>
        %sub3A_646 = arith.subf %min3A_644, %max3A_645 : vector<16xf32>
        %max3A_647 = arith.constant 0.000000e+00 : f32
        %max3A_648 = vector.broadcast %max3A_647 : f32 to vector<16xf32>
        %max3A_649 = arith.maximumf %sub3A_646, %max3A_648 : vector<16xf32>
        %min3A_650 = arith.minimumf %get3A_294, %gather3A_642 : vector<16xf32>
        %max3A_651 = arith.maximumf %get3A_290, %gather3A_634 : vector<16xf32>
        %sub3A_652 = arith.subf %min3A_650, %max3A_651 : vector<16xf32>
        %max3A_653 = arith.constant 0.000000e+00 : f32
        %max3A_654 = vector.broadcast %max3A_653 : f32 to vector<16xf32>
        %max3A_655 = arith.maximumf %sub3A_652, %max3A_654 : vector<16xf32>
        %mul3A_656 = arith.mulf %max3A_649, %max3A_655 : vector<16xf32>
        %add3A_657 = arith.addf %mul3A_297, %gather3A_643 : vector<16xf32>
        %sub3A_658 = arith.subf %add3A_657, %mul3A_656 : vector<16xf32>
        %div3A_659 = arith.divf %mul3A_656, %sub3A_658 : vector<16xf32>
        %add3A_660 = arith.constant 3 : i32
        %add3A_661 = arith.addi %mul3A_562, %add3A_660 : i32
        %broadcast_in_dim3A_662 = vector.broadcast %add3A_661 : i32 to vector<16xi32>
        %gather3A_663 = tpu.vector_load_idx %arg17[%broadcast_in_dim3A_662] : memref<256xf32, #tpu.memory_space<vmem>>[vector<16xi32>], vector<16xf32>,
        %add3A_664 = arith.constant 64 : i32
        %add3A_665 = vector.broadcast %add3A_664 : i32 to vector<16xi32>
        %add3A_666 = arith.addi %broadcast_in_dim3A_662, %add3A_665 : vector<16xi32>
        %gather3A_667 = tpu.vector_load_idx %arg17[%add3A_666] : memref<256xf32, #tpu.memory_space<vmem>>[vector<16xi32>], vector<16xf32>,
        %add3A_668 = arith.constant 128 : i32
        %add3A_669 = vector.broadcast %add3A_668 : i32 to vector<16xi32>
        %add3A_670 = arith.addi %broadcast_in_dim3A_662, %add3A_669 : vector<16xi32>
        %gather3A_671 = tpu.vector_load_idx %arg17[%add3A_670] : memref<256xf32, #tpu.memory_space<vmem>>[vector<16xi32>], vector<16xf32>,
        %add3A_672 = arith.constant 192 : i32
        %add3A_673 = vector.broadcast %add3A_672 : i32 to vector<16xi32>
        %add3A_674 = arith.addi %broadcast_in_dim3A_662, %add3A_673 : vector<16xi32>
        %gather3A_675 = tpu.vector_load_idx %arg17[%add3A_674] : memref<256xf32, #tpu.memory_space<vmem>>[vector<16xi32>], vector<16xf32>,
        %gather3A_676 = tpu.vector_load_idx %arg18[%broadcast_in_dim3A_662] : memref<64xf32, #tpu.memory_space<vmem>>[vector<16xi32>], vector<16xf32>,
        %min3A_677 = arith.minimumf %get3A_292, %gather3A_671 : vector<16xf32>
        %max3A_678 = arith.maximumf %get3A_288, %gather3A_663 : vector<16xf32>
        %sub3A_679 = arith.subf %min3A_677, %max3A_678 : vector<16xf32>
        %max3A_680 = arith.constant 0.000000e+00 : f32
        %max3A_681 = vector.broadcast %max3A_680 : f32 to vector<16xf32>
        %max3A_682 = arith.maximumf %sub3A_679, %max3A_681 : vector<16xf32>
        %min3A_683 = arith.minimumf %get3A_294, %gather3A_675 : vector<16xf32>
        %max3A_684 = arith.maximumf %get3A_290, %gather3A_667 : vector<16xf32>
        %sub3A_685 = arith.subf %min3A_683, %max3A_684 : vector<16xf32>
        %max3A_686 = arith.constant 0.000000e+00 : f32
        %max3A_687 = vector.broadcast %max3A_686 : f32 to vector<16xf32>
        %max3A_688 = arith.maximumf %sub3A_685, %max3A_687 : vector<16xf32>
        %mul3A_689 = arith.mulf %max3A_682, %max3A_688 : vector<16xf32>
        %add3A_690 = arith.addf %mul3A_297, %gather3A_676 : vector<16xf32>
        %sub3A_691 = arith.subf %add3A_690, %mul3A_689 : vector<16xf32>
        %div3A_692 = arith.divf %mul3A_689, %sub3A_691 : vector<16xf32>
        %gt3A = arith.cmpf ogt, %div3A_626, %div3A_593 : vector<16xf32>
        %select_n3A_693 = arith.select %gt3A, %div3A_626, %div3A_593 : vector<16xi1>, vector<16xf32>
        %select_n3A_694 = arith.select %gt3A, %broadcast_in_dim3A_596, %broadcast_in_dim3A_565 : vector<16xi1>, vector<16xi32>
        %gt3A_695 = arith.cmpf ogt, %div3A_692, %div3A_659 : vector<16xf32>
        %select_n3A_696 = arith.select %gt3A_695, %div3A_692, %div3A_659 : vector<16xi1>, vector<16xf32>
        %select_n3A_697 = arith.select %gt3A_695, %broadcast_in_dim3A_662, %broadcast_in_dim3A_629 : vector<16xi1>, vector<16xi32>
        %gt3A_698 = arith.cmpf ogt, %select_n3A_696, %select_n3A_693 : vector<16xf32>
        %select_n3A_699 = arith.select %gt3A_698, %select_n3A_696, %select_n3A_693 : vector<16xi1>, vector<16xf32>
        %select_n3A_700 = arith.select %gt3A_698, %select_n3A_697, %select_n3A_694 : vector<16xi1>, vector<16xi32>
        %gt3A_701 = arith.cmpf ogt, %select_n3A_699, %scan3A_559 : vector<16xf32>
        %select_n3A_702 = arith.select %gt3A_701, %select_n3A_699, %scan3A_559 : vector<16xi1>, vector<16xf32>
        %select_n3A_703 = arith.select %gt3A_701, %select_n3A_700, %scan3A_560 : vector<16xi1>, vector<16xi32>
        scf.yield %select_n3A_702, %select_n3A_703 : vector<16xf32>, vector<16xi32>
      }
      %scan3A_314 = arith.constant 16 : i32
      %lt3A_315 = arith.constant 3.000000e-01 : f32
      %lt3A_316 = vector.broadcast %lt3A_315 : f32 to vector<16xf32>
      %lt3A_317 = arith.cmpf olt, %scan3A_313#0, %lt3A_316 : vector<16xf32>
      %ge3A_318 = arith.constant 0.699999988 : f32
      %ge3A_319 = vector.broadcast %ge3A_318 : f32 to vector<16xf32>
      %ge3A_320 = arith.cmpf oge, %scan3A_313#0, %ge3A_319 : vector<16xf32>
      %jit3A_321 = arith.constant 0.000000e+00 : f32
      %jit3A_322 = arith.constant -1.000000e+00 : f32
      %broadcast_in_dim3A_323 = vector.broadcast %jit3A_321 : f32 to vector<16xf32>
      %broadcast_in_dim3A_324 = vector.broadcast %jit3A_322 : f32 to vector<16xf32>
      %select_n3A_325 = arith.select %lt3A_317, %broadcast_in_dim3A_323, %broadcast_in_dim3A_324 : vector<16xi1>, vector<16xf32>
      %jit3A_326 = arith.constant 1.000000e+00 : f32
      %broadcast_in_dim3A_327 = vector.broadcast %jit3A_326 : f32 to vector<16xf32>
      %select_n3A_328 = arith.select %ge3A_320, %broadcast_in_dim3A_327, %select_n3A_325 : vector<16xi1>, vector<16xf32>
      %jit3A_329 = arith.constant -1.000000e+00 : f32
      %broadcast_in_dim3A_330 = vector.broadcast %jit3A_329 : f32 to vector<16xf32>
      %select_n3A_331 = arith.select %and3A_305, %select_n3A_328, %broadcast_in_dim3A_330 : vector<16xi1>, vector<16xf32>
      %swap3A_332 = arith.index_cast %mul3A_286 : i32 to index
      %swap3A_333 = tpu.vector_load %arg23[%swap3A_332] {strides = array<i32>} : memref<640xf32, #tpu.memory_space<vmem>>, vector<16xf32>,
      tpu.vector_store %arg23[%swap3A_332], %select_n3A_331 {strides = array<i32>} : memref<640xf32, #tpu.memory_space<vmem>>, vector<16xf32>,
      %gather3A = tpu.vector_load_idx %arg21[%scan3A_313#1] : memref<64xf32, #tpu.memory_space<vmem>>[vector<16xi32>], vector<16xf32>,
      %gather3A_334 = tpu.vector_load_idx %arg22[%scan3A_313#1] : memref<64xf32, #tpu.memory_space<vmem>>[vector<16xi32>], vector<16xf32>,
      %gather3A_335 = tpu.vector_load_idx %arg19[%scan3A_313#1] : memref<64xf32, #tpu.memory_space<vmem>>[vector<16xi32>], vector<16xf32>,
      %gather3A_336 = tpu.vector_load_idx %arg20[%scan3A_313#1] : memref<64xf32, #tpu.memory_space<vmem>>[vector<16xi32>], vector<16xf32>,
      %mul3A_337 = arith.constant 5.000000e-01 : f32
      %mul3A_338 = vector.broadcast %mul3A_337 : f32 to vector<16xf32>
      %mul3A_339 = arith.mulf %mul3A_338, %sub3A_295 : vector<16xf32>
      %add3A_340 = arith.addf %get3A_288, %mul3A_339 : vector<16xf32>
      %mul3A_341 = arith.constant 5.000000e-01 : f32
      %mul3A_342 = vector.broadcast %mul3A_341 : f32 to vector<16xf32>
      %mul3A_343 = arith.mulf %mul3A_342, %sub3A_296 : vector<16xf32>
      %add3A_344 = arith.addf %get3A_290, %mul3A_343 : vector<16xf32>
      %broadcast_in_dim3A_345 = arith.constant 1.000000e+00 : f32
      %broadcast_in_dim3A_346 = vector.broadcast %broadcast_in_dim3A_345 : f32 to vector<16xf32>
      %sub3A_347 = arith.subf %gather3A, %add3A_340 : vector<16xf32>
      %div3A = arith.divf %sub3A_347, %sub3A_295 : vector<16xf32>
      %select_n3A_348 = arith.select %and3A_305, %div3A, %broadcast_in_dim3A_346 : vector<16xi1>, vector<16xf32>
      %swap3A_349 = arith.index_cast %mul3A_286 : i32 to index
      %swap3A_350 = tpu.vector_load %arg24[%swap3A_349] {strides = array<i32>} : memref<640xf32, #tpu.memory_space<vmem>>, vector<16xf32>,
      tpu.vector_store %arg24[%swap3A_349], %select_n3A_348 {strides = array<i32>} : memref<640xf32, #tpu.memory_space<vmem>>, vector<16xf32>,
      %sub3A_351 = arith.subf %gather3A_334, %add3A_344 : vector<16xf32>
      %div3A_352 = arith.divf %sub3A_351, %sub3A_296 : vector<16xf32>
      %select_n3A_353 = arith.select %and3A_305, %div3A_352, %broadcast_in_dim3A_346 : vector<16xi1>, vector<16xf32>
      %swap3A_354 = arith.index_cast %mul3A_286 : i32 to index
      %swap3A_355 = tpu.vector_load %arg25[%swap3A_354] {strides = array<i32>} : memref<640xf32, #tpu.memory_space<vmem>>, vector<16xf32>,
      tpu.vector_store %arg25[%swap3A_354], %select_n3A_353 {strides = array<i32>} : memref<640xf32, #tpu.memory_space<vmem>>, vector<16xf32>,
      %div3A_356 = arith.divf %gather3A_335, %sub3A_295 : vector<16xf32>
      %bitcast3A = vector.bitcast %div3A_356 : vector<16xf32> to vector<16xi32>
      %shift_right_arithmetic3A = arith.constant 23 : i32
      %shift_right_arithmetic3A_357 = vector.broadcast %shift_right_arithmetic3A : i32 to vector<16xi32>
      %shift_right_arithmetic3A_358 = arith.shrsi %bitcast3A, %shift_right_arithmetic3A_357 : vector<16xi32>
      %and3A_359 = arith.constant 255 : i32
      %and3A_360 = vector.broadcast %and3A_359 : i32 to vector<16xi32>
      %and3A_361 = arith.andi %shift_right_arithmetic3A_358, %and3A_360 : vector<16xi32>
      %sub3A_362 = arith.constant 127 : i32
      %sub3A_363 = vector.broadcast %sub3A_362 : i32 to vector<16xi32>
      %sub3A_364 = arith.subi %and3A_361, %sub3A_363 : vector<16xi32>
      %and3A_365 = arith.constant 8388607 : i32
      %and3A_366 = vector.broadcast %and3A_365 : i32 to vector<16xi32>
      %and3A_367 = arith.andi %bitcast3A, %and3A_366 : vector<16xi32>
      %or3A = arith.constant 1065353216 : i32
      %or3A_368 = vector.broadcast %or3A : i32 to vector<16xi32>
      %or3A_369 = arith.ori %and3A_367, %or3A_368 : vector<16xi32>
      %bitcast3A_370 = vector.bitcast %or3A_369 : vector<16xi32> to vector<16xf32>
      %mul3A_371 = arith.constant 5.000000e-01 : f32
      %mul3A_372 = vector.broadcast %mul3A_371 : f32 to vector<16xf32>
      %mul3A_373 = arith.mulf %bitcast3A_370, %mul3A_372 : vector<16xf32>
      %ge3A_374 = arith.constant 0.707106769 : f32
      %ge3A_375 = vector.broadcast %ge3A_374 : f32 to vector<16xf32>
      %ge3A_376 = arith.cmpf oge, %mul3A_373, %ge3A_375 : vector<16xf32>
      %select_n3A_377 = arith.select %ge3A_376, %mul3A_373, %bitcast3A_370 : vector<16xi1>, vector<16xf32>
      %sub3A_378 = arith.constant 1.000000e+00 : f32
      %sub3A_379 = vector.broadcast %sub3A_378 : f32 to vector<16xf32>
      %sub3A_380 = arith.subf %select_n3A_377, %sub3A_379 : vector<16xf32>
      %jit3A_381 = arith.constant 1 : i32
      %jit3A_382 = arith.constant 0 : i32
      %broadcast_in_dim3A_383 = vector.broadcast %jit3A_381 : i32 to vector<16xi32>
      %broadcast_in_dim3A_384 = vector.broadcast %jit3A_382 : i32 to vector<16xi32>
      %select_n3A_385 = arith.select %ge3A_376, %broadcast_in_dim3A_383, %broadcast_in_dim3A_384 : vector<16xi1>, vector<16xi32>
      %add3A_386 = arith.addi %sub3A_364, %select_n3A_385 : vector<16xi32>
      %convert_element_type3A_387 = arith.sitofp %add3A_386 : vector<16xi32> to vector<16xf32>
      %mul3A_388 = arith.mulf %sub3A_380, %sub3A_380 : vector<16xf32>
      %broadcast_in_dim3A_389 = arith.constant 0.0703768358 : f32
      %broadcast_in_dim3A_390 = vector.broadcast %broadcast_in_dim3A_389 : f32 to vector<16xf32>
      %mul3A_391 = arith.mulf %broadcast_in_dim3A_390, %sub3A_380 : vector<16xf32>
      %add3A_392 = arith.constant -0.115146101 : f32
      %add3A_393 = vector.broadcast %add3A_392 : f32 to vector<16xf32>
      %add3A_394 = arith.addf %mul3A_391, %add3A_393 : vector<16xf32>
      %mul3A_395 = arith.mulf %add3A_394, %sub3A_380 : vector<16xf32>
      %add3A_396 = arith.constant 0.116769984 : f32
      %add3A_397 = vector.broadcast %add3A_396 : f32 to vector<16xf32>
      %add3A_398 = arith.addf %mul3A_395, %add3A_397 : vector<16xf32>
      %mul3A_399 = arith.mulf %add3A_398, %sub3A_380 : vector<16xf32>
      %add3A_400 = arith.constant -0.12420141 : f32
      %add3A_401 = vector.broadcast %add3A_400 : f32 to vector<16xf32>
      %add3A_402 = arith.addf %mul3A_399, %add3A_401 : vector<16xf32>
      %mul3A_403 = arith.mulf %add3A_402, %sub3A_380 : vector<16xf32>
      %add3A_404 = arith.constant 0.142493233 : f32
      %add3A_405 = vector.broadcast %add3A_404 : f32 to vector<16xf32>
      %add3A_406 = arith.addf %mul3A_403, %add3A_405 : vector<16xf32>
      %mul3A_407 = arith.mulf %add3A_406, %sub3A_380 : vector<16xf32>
      %add3A_408 = arith.constant -0.166680574 : f32
      %add3A_409 = vector.broadcast %add3A_408 : f32 to vector<16xf32>
      %add3A_410 = arith.addf %mul3A_407, %add3A_409 : vector<16xf32>
      %mul3A_411 = arith.mulf %add3A_410, %sub3A_380 : vector<16xf32>
      %add3A_412 = arith.constant 0.200007141 : f32
      %add3A_413 = vector.broadcast %add3A_412 : f32 to vector<16xf32>
      %add3A_414 = arith.addf %mul3A_411, %add3A_413 : vector<16xf32>
      %mul3A_415 = arith.mulf %add3A_414, %sub3A_380 : vector<16xf32>
      %add3A_416 = arith.constant -0.24999994 : f32
      %add3A_417 = vector.broadcast %add3A_416 : f32 to vector<16xf32>
      %add3A_418 = arith.addf %mul3A_415, %add3A_417 : vector<16xf32>
      %mul3A_419 = arith.mulf %add3A_418, %sub3A_380 : vector<16xf32>
      %add3A_420 = arith.constant 0.333333313 : f32
      %add3A_421 = vector.broadcast %add3A_420 : f32 to vector<16xf32>
      %add3A_422 = arith.addf %mul3A_419, %add3A_421 : vector<16xf32>
      %mul3A_423 = arith.mulf %sub3A_380, %mul3A_388 : vector<16xf32>
      %mul3A_424 = arith.mulf %mul3A_423, %add3A_422 : vector<16xf32>
      %mul3A_425 = arith.constant -2.12194442E-4 : f32
      %mul3A_426 = vector.broadcast %mul3A_425 : f32 to vector<16xf32>
      %mul3A_427 = arith.mulf %convert_element_type3A_387, %mul3A_426 : vector<16xf32>
      %add3A_428 = arith.addf %mul3A_424, %mul3A_427 : vector<16xf32>
      %mul3A_429 = arith.constant 5.000000e-01 : f32
      %mul3A_430 = vector.broadcast %mul3A_429 : f32 to vector<16xf32>
      %mul3A_431 = arith.mulf %mul3A_430, %mul3A_388 : vector<16xf32>
      %sub3A_432 = arith.subf %add3A_428, %mul3A_431 : vector<16xf32>
      %add3A_433 = arith.addf %sub3A_380, %sub3A_432 : vector<16xf32>
      %mul3A_434 = arith.constant 0.693359375 : f32
      %mul3A_435 = vector.broadcast %mul3A_434 : f32 to vector<16xf32>
      %mul3A_436 = arith.mulf %convert_element_type3A_387, %mul3A_435 : vector<16xf32>
      %add3A_437 = arith.addf %add3A_433, %mul3A_436 : vector<16xf32>
      %select_n3A_438 = arith.select %and3A_305, %add3A_437, %broadcast_in_dim3A_346 : vector<16xi1>, vector<16xf32>
      %swap3A_439 = arith.index_cast %mul3A_286 : i32 to index
      %swap3A_440 = tpu.vector_load %arg26[%swap3A_439] {strides = array<i32>} : memref<640xf32, #tpu.memory_space<vmem>>, vector<16xf32>,
      tpu.vector_store %arg26[%swap3A_439], %select_n3A_438 {strides = array<i32>} : memref<640xf32, #tpu.memory_space<vmem>>, vector<16xf32>,
      %div3A_441 = arith.divf %gather3A_336, %sub3A_296 : vector<16xf32>
      %bitcast3A_442 = vector.bitcast %div3A_441 : vector<16xf32> to vector<16xi32>
      %shift_right_arithmetic3A_443 = arith.constant 23 : i32
      %shift_right_arithmetic3A_444 = vector.broadcast %shift_right_arithmetic3A_443 : i32 to vector<16xi32>
      %shift_right_arithmetic3A_445 = arith.shrsi %bitcast3A_442, %shift_right_arithmetic3A_444 : vector<16xi32>
      %and3A_446 = arith.constant 255 : i32
      %and3A_447 = vector.broadcast %and3A_446 : i32 to vector<16xi32>
      %and3A_448 = arith.andi %shift_right_arithmetic3A_445, %and3A_447 : vector<16xi32>
      %sub3A_449 = arith.constant 127 : i32
      %sub3A_450 = vector.broadcast %sub3A_449 : i32 to vector<16xi32>
      %sub3A_451 = arith.subi %and3A_448, %sub3A_450 : vector<16xi32>
      %and3A_452 = arith.constant 8388607 : i32
      %and3A_453 = vector.broadcast %and3A_452 : i32 to vector<16xi32>
      %and3A_454 = arith.andi %bitcast3A_442, %and3A_453 : vector<16xi32>
      %or3A_455 = arith.constant 1065353216 : i32
      %or3A_456 = vector.broadcast %or3A_455 : i32 to vector<16xi32>
      %or3A_457 = arith.ori %and3A_454, %or3A_456 : vector<16xi32>
      %bitcast3A_458 = vector.bitcast %or3A_457 : vector<16xi32> to vector<16xf32>
      %mul3A_459 = arith.constant 5.000000e-01 : f32
      %mul3A_460 = vector.broadcast %mul3A_459 : f32 to vector<16xf32>
      %mul3A_461 = arith.mulf %bitcast3A_458, %mul3A_460 : vector<16xf32>
      %ge3A_462 = arith.constant 0.707106769 : f32
      %ge3A_463 = vector.broadcast %ge3A_462 : f32 to vector<16xf32>
      %ge3A_464 = arith.cmpf oge, %mul3A_461, %ge3A_463 : vector<16xf32>
      %select_n3A_465 = arith.select %ge3A_464, %mul3A_461, %bitcast3A_458 : vector<16xi1>, vector<16xf32>
      %sub3A_466 = arith.constant 1.000000e+00 : f32
      %sub3A_467 = vector.broadcast %sub3A_466 : f32 to vector<16xf32>
      %sub3A_468 = arith.subf %select_n3A_465, %sub3A_467 : vector<16xf32>
      %jit3A_469 = arith.constant 1 : i32
      %jit3A_470 = arith.constant 0 : i32
      %broadcast_in_dim3A_471 = vector.broadcast %jit3A_469 : i32 to vector<16xi32>
      %broadcast_in_dim3A_472 = vector.broadcast %jit3A_470 : i32 to vector<16xi32>
      %select_n3A_473 = arith.select %ge3A_464, %broadcast_in_dim3A_471, %broadcast_in_dim3A_472 : vector<16xi1>, vector<16xi32>
      %add3A_474 = arith.addi %sub3A_451, %select_n3A_473 : vector<16xi32>
      %convert_element_type3A_475 = arith.sitofp %add3A_474 : vector<16xi32> to vector<16xf32>
      %mul3A_476 = arith.mulf %sub3A_468, %sub3A_468 : vector<16xf32>
      %broadcast_in_dim3A_477 = arith.constant 0.0703768358 : f32
      %broadcast_in_dim3A_478 = vector.broadcast %broadcast_in_dim3A_477 : f32 to vector<16xf32>
      %mul3A_479 = arith.mulf %broadcast_in_dim3A_478, %sub3A_468 : vector<16xf32>
      %add3A_480 = arith.constant -0.115146101 : f32
      %add3A_481 = vector.broadcast %add3A_480 : f32 to vector<16xf32>
      %add3A_482 = arith.addf %mul3A_479, %add3A_481 : vector<16xf32>
      %mul3A_483 = arith.mulf %add3A_482, %sub3A_468 : vector<16xf32>
      %add3A_484 = arith.constant 0.116769984 : f32
      %add3A_485 = vector.broadcast %add3A_484 : f32 to vector<16xf32>
      %add3A_486 = arith.addf %mul3A_483, %add3A_485 : vector<16xf32>
      %mul3A_487 = arith.mulf %add3A_486, %sub3A_468 : vector<16xf32>
      %add3A_488 = arith.constant -0.12420141 : f32
      %add3A_489 = vector.broadcast %add3A_488 : f32 to vector<16xf32>
      %add3A_490 = arith.addf %mul3A_487, %add3A_489 : vector<16xf32>
      %mul3A_491 = arith.mulf %add3A_490, %sub3A_468 : vector<16xf32>
      %add3A_492 = arith.constant 0.142493233 : f32
      %add3A_493 = vector.broadcast %add3A_492 : f32 to vector<16xf32>
      %add3A_494 = arith.addf %mul3A_491, %add3A_493 : vector<16xf32>
      %mul3A_495 = arith.mulf %add3A_494, %sub3A_468 : vector<16xf32>
      %add3A_496 = arith.constant -0.166680574 : f32
      %add3A_497 = vector.broadcast %add3A_496 : f32 to vector<16xf32>
      %add3A_498 = arith.addf %mul3A_495, %add3A_497 : vector<16xf32>
      %mul3A_499 = arith.mulf %add3A_498, %sub3A_468 : vector<16xf32>
      %add3A_500 = arith.constant 0.200007141 : f32
      %add3A_501 = vector.broadcast %add3A_500 : f32 to vector<16xf32>
      %add3A_502 = arith.addf %mul3A_499, %add3A_501 : vector<16xf32>
      %mul3A_503 = arith.mulf %add3A_502, %sub3A_468 : vector<16xf32>
      %add3A_504 = arith.constant -0.24999994 : f32
      %add3A_505 = vector.broadcast %add3A_504 : f32 to vector<16xf32>
      %add3A_506 = arith.addf %mul3A_503, %add3A_505 : vector<16xf32>
      %mul3A_507 = arith.mulf %add3A_506, %sub3A_468 : vector<16xf32>
      %add3A_508 = arith.constant 0.333333313 : f32
      %add3A_509 = vector.broadcast %add3A_508 : f32 to vector<16xf32>
      %add3A_510 = arith.addf %mul3A_507, %add3A_509 : vector<16xf32>
      %mul3A_511 = arith.mulf %sub3A_468, %mul3A_476 : vector<16xf32>
      %mul3A_512 = arith.mulf %mul3A_511, %add3A_510 : vector<16xf32>
      %mul3A_513 = arith.constant -2.12194442E-4 : f32
      %mul3A_514 = vector.broadcast %mul3A_513 : f32 to vector<16xf32>
      %mul3A_515 = arith.mulf %convert_element_type3A_475, %mul3A_514 : vector<16xf32>
      %add3A_516 = arith.addf %mul3A_512, %mul3A_515 : vector<16xf32>
      %mul3A_517 = arith.constant 5.000000e-01 : f32
      %mul3A_518 = vector.broadcast %mul3A_517 : f32 to vector<16xf32>
      %mul3A_519 = arith.mulf %mul3A_518, %mul3A_476 : vector<16xf32>
      %sub3A_520 = arith.subf %add3A_516, %mul3A_519 : vector<16xf32>
      %add3A_521 = arith.addf %sub3A_468, %sub3A_520 : vector<16xf32>
      %mul3A_522 = arith.constant 0.693359375 : f32
      %mul3A_523 = vector.broadcast %mul3A_522 : f32 to vector<16xf32>
      %mul3A_524 = arith.mulf %convert_element_type3A_475, %mul3A_523 : vector<16xf32>
      %add3A_525 = arith.addf %add3A_521, %mul3A_524 : vector<16xf32>
      %select_n3A_526 = arith.select %and3A_305, %add3A_525, %broadcast_in_dim3A_346 : vector<16xi1>, vector<16xf32>
      %swap3A_527 = arith.index_cast %mul3A_286 : i32 to index
      %swap3A_528 = tpu.vector_load %arg27[%swap3A_527] {strides = array<i32>} : memref<640xf32, #tpu.memory_space<vmem>>, vector<16xf32>,
      tpu.vector_store %arg27[%swap3A_527], %select_n3A_526 {strides = array<i32>} : memref<640xf32, #tpu.memory_space<vmem>>, vector<16xf32>,
      %jit3A_529 = arith.constant 1.000000e+00 : f32
      %jit3A_530 = arith.constant 0.000000e+00 : f32
      %broadcast_in_dim3A_531 = vector.broadcast %jit3A_529 : f32 to vector<16xf32>
      %broadcast_in_dim3A_532 = vector.broadcast %jit3A_530 : f32 to vector<16xf32>
      %select_n3A_533 = arith.select %ge3A_320, %broadcast_in_dim3A_531, %broadcast_in_dim3A_532 : vector<16xi1>, vector<16xf32>
      %jit3A_534 = arith.constant 1.000000e+00 : f32
      %broadcast_in_dim3A_535 = vector.broadcast %jit3A_534 : f32 to vector<16xf32>
      %select_n3A_536 = arith.select %and3A_305, %select_n3A_533, %broadcast_in_dim3A_535 : vector<16xi1>, vector<16xf32>
      %swap3A_537 = arith.index_cast %mul3A_286 : i32 to index
      %swap3A_538 = tpu.vector_load %arg28[%swap3A_537] {strides = array<i32>} : memref<640xf32, #tpu.memory_space<vmem>>, vector<16xf32>,
      tpu.vector_store %arg28[%swap3A_537], %select_n3A_536 {strides = array<i32>} : memref<640xf32, #tpu.memory_space<vmem>>, vector<16xf32>,
      %or3A_539 = arith.ori %lt3A_317, %ge3A_320 : vector<16xi1>
      %jit3A_540 = arith.constant 2.000000e+00 : f32
      %jit3A_541 = arith.constant 0.000000e+00 : f32
      %broadcast_in_dim3A_542 = vector.broadcast %jit3A_540 : f32 to vector<16xf32>
      %broadcast_in_dim3A_543 = vector.broadcast %jit3A_541 : f32 to vector<16xf32>
      %select_n3A_544 = arith.select %or3A_539, %broadcast_in_dim3A_542, %broadcast_in_dim3A_543 : vector<16xi1>, vector<16xf32>
      %jit3A_545 = arith.constant 1.000000e+00 : f32
      %broadcast_in_dim3A_546 = vector.broadcast %jit3A_545 : f32 to vector<16xf32>
      %select_n3A_547 = arith.select %and3A_305, %select_n3A_544, %broadcast_in_dim3A_546 : vector<16xi1>, vector<16xf32>
      %swap3A_548 = arith.index_cast %mul3A_286 : i32 to index
      %swap3A_549 = tpu.vector_load %arg29[%swap3A_548] {strides = array<i32>} : memref<640xf32, #tpu.memory_space<vmem>>, vector<16xf32>,
      tpu.vector_store %arg29[%swap3A_548], %select_n3A_547 {strides = array<i32>} : memref<640xf32, #tpu.memory_space<vmem>>, vector<16xf32>,
      %or3A_550 = arith.ori %lt3A_317, %ge3A_320 : vector<16xi1>
      %and3A_551 = arith.andi %and3A_305, %or3A_550 : vector<16xi1>
      %jit3A_552 = arith.constant 1.000000e+00 : f32
      %jit3A_553 = arith.constant 0.000000e+00 : f32
      %broadcast_in_dim3A_554 = vector.broadcast %jit3A_552 : f32 to vector<16xf32>
      %broadcast_in_dim3A_555 = vector.broadcast %jit3A_553 : f32 to vector<16xf32>
      %select_n3A_556 = arith.select %and3A_551, %broadcast_in_dim3A_554, %broadcast_in_dim3A_555 : vector<16xi1>, vector<16xf32>
      %add3A_557 = arith.addf %while3A_284, %select_n3A_556 : vector<16xf32>
      scf.yield %add3A_557 : vector<16xf32>
    }
    %while3A_186 = arith.constant 1 : i32
    %while3A_187 = scf.for %while3A_283 = %while3A_183 to %while3A_179 step %while3A_186 iter_args(%while3A_284 = %while3A_185) -> (vector<16xf32>)  : i32 {
      %mul3A_285 = arith.constant 16 : i32
      %mul3A_286 = arith.muli %while3A_283, %mul3A_285 : i32
      %get3A_287 = arith.index_cast %mul3A_286 : i32 to index
      %get3A_288 = tpu.vector_load %arg13[%get3A_287] {strides = array<i32>} : memref<640xf32, #tpu.memory_space<vmem>>, vector<16xf32>,
      %get3A_289 = arith.index_cast %mul3A_286 : i32 to index
      %get3A_290 = tpu.vector_load %arg14[%get3A_289] {strides = array<i32>} : memref<640xf32, #tpu.memory_space<vmem>>, vector<16xf32>,
      %get3A_291 = arith.index_cast %mul3A_286 : i32 to index
      %get3A_292 = tpu.vector_load %arg15[%get3A_291] {strides = array<i32>} : memref<640xf32, #tpu.memory_space<vmem>>, vector<16xf32>,
      %get3A_293 = arith.index_cast %mul3A_286 : i32 to index
      %get3A_294 = tpu.vector_load %arg16[%get3A_293] {strides = array<i32>} : memref<640xf32, #tpu.memory_space<vmem>>, vector<16xf32>,
      %sub3A_295 = arith.subf %get3A_292, %get3A_288 : vector<16xf32>
      %sub3A_296 = arith.subf %get3A_294, %get3A_290 : vector<16xf32>
      %mul3A_297 = arith.mulf %sub3A_295, %sub3A_296 : vector<16xf32>
      %ge3A = arith.constant 0.000000e+00 : f32
      %ge3A_298 = vector.broadcast %ge3A : f32 to vector<16xf32>
      %ge3A_299 = arith.cmpf oge, %get3A_288, %ge3A_298 : vector<16xf32>
      %ge3A_300 = arith.constant 0.000000e+00 : f32
      %ge3A_301 = vector.broadcast %ge3A_300 : f32 to vector<16xf32>
      %ge3A_302 = arith.cmpf oge, %get3A_290, %ge3A_301 : vector<16xf32>
      %and3A = arith.andi %ge3A_299, %ge3A_302 : vector<16xi1>
      %le3A = arith.cmpf ole, %get3A_292, %get3A_175 : vector<16xf32>
      %and3A_303 = arith.andi %and3A, %le3A : vector<16xi1>
      %le3A_304 = arith.cmpf ole, %get3A_294, %get3A_173 : vector<16xf32>
      %and3A_305 = arith.andi %and3A_303, %le3A_304 : vector<16xi1>
      %broadcast_in_dim3A_306 = arith.constant -1.000000e+00 : f32
      %broadcast_in_dim3A_307 = vector.broadcast %broadcast_in_dim3A_306 : f32 to vector<16xf32>
      %broadcast_in_dim3A_308 = arith.constant 0 : i32
      %broadcast_in_dim3A_309 = vector.broadcast %broadcast_in_dim3A_308 : i32 to vector<16xi32>
      %scan3A = arith.constant 0 : i32
      %scan3A_310 = arith.constant 16 : i32
      %scan3A_311 = arith.addi %scan3A, %scan3A_310 : i32
      %scan3A_312 = arith.constant 1 : i32
      %scan3A_313:2 = scf.for %scan3A_558 = %scan3A to %scan3A_311 step %scan3A_312 iter_args(%scan3A_559 = %broadcast_in_dim3A_307, %scan3A_560 = %broadcast_in_dim3A_309) -> (vector<16xf32>, vector<16xi32>)  : i32 {
        %mul3A_561 = arith.constant 4 : i32
        %mul3A_562 = arith.muli %scan3A_558, %mul3A_561 : i32
        %add3A_563 = arith.constant 0 : i32
        %add3A_564 = arith.addi %mul3A_562, %add3A_563 : i32
        %broadcast_in_dim3A_565 = vector.broadcast %add3A_564 : i32 to vector<16xi32>
        %gather3A_566 = tpu.vector_load_idx %arg17[%broadcast_in_dim3A_565] : memref<256xf32, #tpu.memory_space<vmem>>[vector<16xi32>], vector<16xf32>,
        %add3A_567 = arith.constant 64 : i32
        %add3A_568 = vector.broadcast %add3A_567 : i32 to vector<16xi32>
        %add3A_569 = arith.addi %broadcast_in_dim3A_565, %add3A_568 : vector<16xi32>
        %gather3A_570 = tpu.vector_load_idx %arg17[%add3A_569] : memref<256xf32, #tpu.memory_space<vmem>>[vector<16xi32>], vector<16xf32>,
        %add3A_571 = arith.constant 128 : i32
        %add3A_572 = vector.broadcast %add3A_571 : i32 to vector<16xi32>
        %add3A_573 = arith.addi %broadcast_in_dim3A_565, %add3A_572 : vector<16xi32>
        %gather3A_574 = tpu.vector_load_idx %arg17[%add3A_573] : memref<256xf32, #tpu.memory_space<vmem>>[vector<16xi32>], vector<16xf32>,
        %add3A_575 = arith.constant 192 : i32
        %add3A_576 = vector.broadcast %add3A_575 : i32 to vector<16xi32>
        %add3A_577 = arith.addi %broadcast_in_dim3A_565, %add3A_576 : vector<16xi32>
        %gather3A_578 = tpu.vector_load_idx %arg17[%add3A_577] : memref<256xf32, #tpu.memory_space<vmem>>[vector<16xi32>], vector<16xf32>,
        %gather3A_579 = tpu.vector_load_idx %arg18[%broadcast_in_dim3A_565] : memref<64xf32, #tpu.memory_space<vmem>>[vector<16xi32>], vector<16xf32>,
        %min3A = arith.minimumf %get3A_292, %gather3A_574 : vector<16xf32>
        %max3A = arith.maximumf %get3A_288, %gather3A_566 : vector<16xf32>
        %sub3A_580 = arith.subf %min3A, %max3A : vector<16xf32>
        %max3A_581 = arith.constant 0.000000e+00 : f32
        %max3A_582 = vector.broadcast %max3A_581 : f32 to vector<16xf32>
        %max3A_583 = arith.maximumf %sub3A_580, %max3A_582 : vector<16xf32>
        %min3A_584 = arith.minimumf %get3A_294, %gather3A_578 : vector<16xf32>
        %max3A_585 = arith.maximumf %get3A_290, %gather3A_570 : vector<16xf32>
        %sub3A_586 = arith.subf %min3A_584, %max3A_585 : vector<16xf32>
        %max3A_587 = arith.constant 0.000000e+00 : f32
        %max3A_588 = vector.broadcast %max3A_587 : f32 to vector<16xf32>
        %max3A_589 = arith.maximumf %sub3A_586, %max3A_588 : vector<16xf32>
        %mul3A_590 = arith.mulf %max3A_583, %max3A_589 : vector<16xf32>
        %add3A_591 = arith.addf %mul3A_297, %gather3A_579 : vector<16xf32>
        %sub3A_592 = arith.subf %add3A_591, %mul3A_590 : vector<16xf32>
        %div3A_593 = arith.divf %mul3A_590, %sub3A_592 : vector<16xf32>
        %add3A_594 = arith.constant 1 : i32
        %add3A_595 = arith.addi %mul3A_562, %add3A_594 : i32
        %broadcast_in_dim3A_596 = vector.broadcast %add3A_595 : i32 to vector<16xi32>
        %gather3A_597 = tpu.vector_load_idx %arg17[%broadcast_in_dim3A_596] : memref<256xf32, #tpu.memory_space<vmem>>[vector<16xi32>], vector<16xf32>,
        %add3A_598 = arith.constant 64 : i32
        %add3A_599 = vector.broadcast %add3A_598 : i32 to vector<16xi32>
        %add3A_600 = arith.addi %broadcast_in_dim3A_596, %add3A_599 : vector<16xi32>
        %gather3A_601 = tpu.vector_load_idx %arg17[%add3A_600] : memref<256xf32, #tpu.memory_space<vmem>>[vector<16xi32>], vector<16xf32>,
        %add3A_602 = arith.constant 128 : i32
        %add3A_603 = vector.broadcast %add3A_602 : i32 to vector<16xi32>
        %add3A_604 = arith.addi %broadcast_in_dim3A_596, %add3A_603 : vector<16xi32>
        %gather3A_605 = tpu.vector_load_idx %arg17[%add3A_604] : memref<256xf32, #tpu.memory_space<vmem>>[vector<16xi32>], vector<16xf32>,
        %add3A_606 = arith.constant 192 : i32
        %add3A_607 = vector.broadcast %add3A_606 : i32 to vector<16xi32>
        %add3A_608 = arith.addi %broadcast_in_dim3A_596, %add3A_607 : vector<16xi32>
        %gather3A_609 = tpu.vector_load_idx %arg17[%add3A_608] : memref<256xf32, #tpu.memory_space<vmem>>[vector<16xi32>], vector<16xf32>,
        %gather3A_610 = tpu.vector_load_idx %arg18[%broadcast_in_dim3A_596] : memref<64xf32, #tpu.memory_space<vmem>>[vector<16xi32>], vector<16xf32>,
        %min3A_611 = arith.minimumf %get3A_292, %gather3A_605 : vector<16xf32>
        %max3A_612 = arith.maximumf %get3A_288, %gather3A_597 : vector<16xf32>
        %sub3A_613 = arith.subf %min3A_611, %max3A_612 : vector<16xf32>
        %max3A_614 = arith.constant 0.000000e+00 : f32
        %max3A_615 = vector.broadcast %max3A_614 : f32 to vector<16xf32>
        %max3A_616 = arith.maximumf %sub3A_613, %max3A_615 : vector<16xf32>
        %min3A_617 = arith.minimumf %get3A_294, %gather3A_609 : vector<16xf32>
        %max3A_618 = arith.maximumf %get3A_290, %gather3A_601 : vector<16xf32>
        %sub3A_619 = arith.subf %min3A_617, %max3A_618 : vector<16xf32>
        %max3A_620 = arith.constant 0.000000e+00 : f32
        %max3A_621 = vector.broadcast %max3A_620 : f32 to vector<16xf32>
        %max3A_622 = arith.maximumf %sub3A_619, %max3A_621 : vector<16xf32>
        %mul3A_623 = arith.mulf %max3A_616, %max3A_622 : vector<16xf32>
        %add3A_624 = arith.addf %mul3A_297, %gather3A_610 : vector<16xf32>
        %sub3A_625 = arith.subf %add3A_624, %mul3A_623 : vector<16xf32>
        %div3A_626 = arith.divf %mul3A_623, %sub3A_625 : vector<16xf32>
        %add3A_627 = arith.constant 2 : i32
        %add3A_628 = arith.addi %mul3A_562, %add3A_627 : i32
        %broadcast_in_dim3A_629 = vector.broadcast %add3A_628 : i32 to vector<16xi32>
        %gather3A_630 = tpu.vector_load_idx %arg17[%broadcast_in_dim3A_629] : memref<256xf32, #tpu.memory_space<vmem>>[vector<16xi32>], vector<16xf32>,
        %add3A_631 = arith.constant 64 : i32
        %add3A_632 = vector.broadcast %add3A_631 : i32 to vector<16xi32>
        %add3A_633 = arith.addi %broadcast_in_dim3A_629, %add3A_632 : vector<16xi32>
        %gather3A_634 = tpu.vector_load_idx %arg17[%add3A_633] : memref<256xf32, #tpu.memory_space<vmem>>[vector<16xi32>], vector<16xf32>,
        %add3A_635 = arith.constant 128 : i32
        %add3A_636 = vector.broadcast %add3A_635 : i32 to vector<16xi32>
        %add3A_637 = arith.addi %broadcast_in_dim3A_629, %add3A_636 : vector<16xi32>
        %gather3A_638 = tpu.vector_load_idx %arg17[%add3A_637] : memref<256xf32, #tpu.memory_space<vmem>>[vector<16xi32>], vector<16xf32>,
        %add3A_639 = arith.constant 192 : i32
        %add3A_640 = vector.broadcast %add3A_639 : i32 to vector<16xi32>
        %add3A_641 = arith.addi %broadcast_in_dim3A_629, %add3A_640 : vector<16xi32>
        %gather3A_642 = tpu.vector_load_idx %arg17[%add3A_641] : memref<256xf32, #tpu.memory_space<vmem>>[vector<16xi32>], vector<16xf32>,
        %gather3A_643 = tpu.vector_load_idx %arg18[%broadcast_in_dim3A_629] : memref<64xf32, #tpu.memory_space<vmem>>[vector<16xi32>], vector<16xf32>,
        %min3A_644 = arith.minimumf %get3A_292, %gather3A_638 : vector<16xf32>
        %max3A_645 = arith.maximumf %get3A_288, %gather3A_630 : vector<16xf32>
        %sub3A_646 = arith.subf %min3A_644, %max3A_645 : vector<16xf32>
        %max3A_647 = arith.constant 0.000000e+00 : f32
        %max3A_648 = vector.broadcast %max3A_647 : f32 to vector<16xf32>
        %max3A_649 = arith.maximumf %sub3A_646, %max3A_648 : vector<16xf32>
        %min3A_650 = arith.minimumf %get3A_294, %gather3A_642 : vector<16xf32>
        %max3A_651 = arith.maximumf %get3A_290, %gather3A_634 : vector<16xf32>
        %sub3A_652 = arith.subf %min3A_650, %max3A_651 : vector<16xf32>
        %max3A_653 = arith.constant 0.000000e+00 : f32
        %max3A_654 = vector.broadcast %max3A_653 : f32 to vector<16xf32>
        %max3A_655 = arith.maximumf %sub3A_652, %max3A_654 : vector<16xf32>
        %mul3A_656 = arith.mulf %max3A_649, %max3A_655 : vector<16xf32>
        %add3A_657 = arith.addf %mul3A_297, %gather3A_643 : vector<16xf32>
        %sub3A_658 = arith.subf %add3A_657, %mul3A_656 : vector<16xf32>
        %div3A_659 = arith.divf %mul3A_656, %sub3A_658 : vector<16xf32>
        %add3A_660 = arith.constant 3 : i32
        %add3A_661 = arith.addi %mul3A_562, %add3A_660 : i32
        %broadcast_in_dim3A_662 = vector.broadcast %add3A_661 : i32 to vector<16xi32>
        %gather3A_663 = tpu.vector_load_idx %arg17[%broadcast_in_dim3A_662] : memref<256xf32, #tpu.memory_space<vmem>>[vector<16xi32>], vector<16xf32>,
        %add3A_664 = arith.constant 64 : i32
        %add3A_665 = vector.broadcast %add3A_664 : i32 to vector<16xi32>
        %add3A_666 = arith.addi %broadcast_in_dim3A_662, %add3A_665 : vector<16xi32>
        %gather3A_667 = tpu.vector_load_idx %arg17[%add3A_666] : memref<256xf32, #tpu.memory_space<vmem>>[vector<16xi32>], vector<16xf32>,
        %add3A_668 = arith.constant 128 : i32
        %add3A_669 = vector.broadcast %add3A_668 : i32 to vector<16xi32>
        %add3A_670 = arith.addi %broadcast_in_dim3A_662, %add3A_669 : vector<16xi32>
        %gather3A_671 = tpu.vector_load_idx %arg17[%add3A_670] : memref<256xf32, #tpu.memory_space<vmem>>[vector<16xi32>], vector<16xf32>,
        %add3A_672 = arith.constant 192 : i32
        %add3A_673 = vector.broadcast %add3A_672 : i32 to vector<16xi32>
        %add3A_674 = arith.addi %broadcast_in_dim3A_662, %add3A_673 : vector<16xi32>
        %gather3A_675 = tpu.vector_load_idx %arg17[%add3A_674] : memref<256xf32, #tpu.memory_space<vmem>>[vector<16xi32>], vector<16xf32>,
        %gather3A_676 = tpu.vector_load_idx %arg18[%broadcast_in_dim3A_662] : memref<64xf32, #tpu.memory_space<vmem>>[vector<16xi32>], vector<16xf32>,
        %min3A_677 = arith.minimumf %get3A_292, %gather3A_671 : vector<16xf32>
        %max3A_678 = arith.maximumf %get3A_288, %gather3A_663 : vector<16xf32>
        %sub3A_679 = arith.subf %min3A_677, %max3A_678 : vector<16xf32>
        %max3A_680 = arith.constant 0.000000e+00 : f32
        %max3A_681 = vector.broadcast %max3A_680 : f32 to vector<16xf32>
        %max3A_682 = arith.maximumf %sub3A_679, %max3A_681 : vector<16xf32>
        %min3A_683 = arith.minimumf %get3A_294, %gather3A_675 : vector<16xf32>
        %max3A_684 = arith.maximumf %get3A_290, %gather3A_667 : vector<16xf32>
        %sub3A_685 = arith.subf %min3A_683, %max3A_684 : vector<16xf32>
        %max3A_686 = arith.constant 0.000000e+00 : f32
        %max3A_687 = vector.broadcast %max3A_686 : f32 to vector<16xf32>
        %max3A_688 = arith.maximumf %sub3A_685, %max3A_687 : vector<16xf32>
        %mul3A_689 = arith.mulf %max3A_682, %max3A_688 : vector<16xf32>
        %add3A_690 = arith.addf %mul3A_297, %gather3A_676 : vector<16xf32>
        %sub3A_691 = arith.subf %add3A_690, %mul3A_689 : vector<16xf32>
        %div3A_692 = arith.divf %mul3A_689, %sub3A_691 : vector<16xf32>
        %gt3A = arith.cmpf ogt, %div3A_626, %div3A_593 : vector<16xf32>
        %select_n3A_693 = arith.select %gt3A, %div3A_626, %div3A_593 : vector<16xi1>, vector<16xf32>
        %select_n3A_694 = arith.select %gt3A, %broadcast_in_dim3A_596, %broadcast_in_dim3A_565 : vector<16xi1>, vector<16xi32>
        %gt3A_695 = arith.cmpf ogt, %div3A_692, %div3A_659 : vector<16xf32>
        %select_n3A_696 = arith.select %gt3A_695, %div3A_692, %div3A_659 : vector<16xi1>, vector<16xf32>
        %select_n3A_697 = arith.select %gt3A_695, %broadcast_in_dim3A_662, %broadcast_in_dim3A_629 : vector<16xi1>, vector<16xi32>
        %gt3A_698 = arith.cmpf ogt, %select_n3A_696, %select_n3A_693 : vector<16xf32>
        %select_n3A_699 = arith.select %gt3A_698, %select_n3A_696, %select_n3A_693 : vector<16xi1>, vector<16xf32>
        %select_n3A_700 = arith.select %gt3A_698, %select_n3A_697, %select_n3A_694 : vector<16xi1>, vector<16xi32>
        %gt3A_701 = arith.cmpf ogt, %select_n3A_699, %scan3A_559 : vector<16xf32>
        %select_n3A_702 = arith.select %gt3A_701, %select_n3A_699, %scan3A_559 : vector<16xi1>, vector<16xf32>
        %select_n3A_703 = arith.select %gt3A_701, %select_n3A_700, %scan3A_560 : vector<16xi1>, vector<16xi32>
        scf.yield %select_n3A_702, %select_n3A_703 : vector<16xf32>, vector<16xi32>
      }
      %scan3A_314 = arith.constant 16 : i32
      %lt3A_315 = arith.constant 3.000000e-01 : f32
      %lt3A_316 = vector.broadcast %lt3A_315 : f32 to vector<16xf32>
      %lt3A_317 = arith.cmpf olt, %scan3A_313#0, %lt3A_316 : vector<16xf32>
      %ge3A_318 = arith.constant 0.699999988 : f32
      %ge3A_319 = vector.broadcast %ge3A_318 : f32 to vector<16xf32>
      %ge3A_320 = arith.cmpf oge, %scan3A_313#0, %ge3A_319 : vector<16xf32>
      %jit3A_321 = arith.constant 0.000000e+00 : f32
      %jit3A_322 = arith.constant -1.000000e+00 : f32
      %broadcast_in_dim3A_323 = vector.broadcast %jit3A_321 : f32 to vector<16xf32>
      %broadcast_in_dim3A_324 = vector.broadcast %jit3A_322 : f32 to vector<16xf32>
      %select_n3A_325 = arith.select %lt3A_317, %broadcast_in_dim3A_323, %broadcast_in_dim3A_324 : vector<16xi1>, vector<16xf32>
      %jit3A_326 = arith.constant 1.000000e+00 : f32
      %broadcast_in_dim3A_327 = vector.broadcast %jit3A_326 : f32 to vector<16xf32>
      %select_n3A_328 = arith.select %ge3A_320, %broadcast_in_dim3A_327, %select_n3A_325 : vector<16xi1>, vector<16xf32>
      %jit3A_329 = arith.constant -1.000000e+00 : f32
      %broadcast_in_dim3A_330 = vector.broadcast %jit3A_329 : f32 to vector<16xf32>
      %select_n3A_331 = arith.select %and3A_305, %select_n3A_328, %broadcast_in_dim3A_330 : vector<16xi1>, vector<16xf32>
      %swap3A_332 = arith.index_cast %mul3A_286 : i32 to index
      %swap3A_333 = tpu.vector_load %arg23[%swap3A_332] {strides = array<i32>} : memref<640xf32, #tpu.memory_space<vmem>>, vector<16xf32>,
      tpu.vector_store %arg23[%swap3A_332], %select_n3A_331 {strides = array<i32>} : memref<640xf32, #tpu.memory_space<vmem>>, vector<16xf32>,
      %gather3A = tpu.vector_load_idx %arg21[%scan3A_313#1] : memref<64xf32, #tpu.memory_space<vmem>>[vector<16xi32>], vector<16xf32>,
      %gather3A_334 = tpu.vector_load_idx %arg22[%scan3A_313#1] : memref<64xf32, #tpu.memory_space<vmem>>[vector<16xi32>], vector<16xf32>,
      %gather3A_335 = tpu.vector_load_idx %arg19[%scan3A_313#1] : memref<64xf32, #tpu.memory_space<vmem>>[vector<16xi32>], vector<16xf32>,
      %gather3A_336 = tpu.vector_load_idx %arg20[%scan3A_313#1] : memref<64xf32, #tpu.memory_space<vmem>>[vector<16xi32>], vector<16xf32>,
      %mul3A_337 = arith.constant 5.000000e-01 : f32
      %mul3A_338 = vector.broadcast %mul3A_337 : f32 to vector<16xf32>
      %mul3A_339 = arith.mulf %mul3A_338, %sub3A_295 : vector<16xf32>
      %add3A_340 = arith.addf %get3A_288, %mul3A_339 : vector<16xf32>
      %mul3A_341 = arith.constant 5.000000e-01 : f32
      %mul3A_342 = vector.broadcast %mul3A_341 : f32 to vector<16xf32>
      %mul3A_343 = arith.mulf %mul3A_342, %sub3A_296 : vector<16xf32>
      %add3A_344 = arith.addf %get3A_290, %mul3A_343 : vector<16xf32>
      %broadcast_in_dim3A_345 = arith.constant 1.000000e+00 : f32
      %broadcast_in_dim3A_346 = vector.broadcast %broadcast_in_dim3A_345 : f32 to vector<16xf32>
      %sub3A_347 = arith.subf %gather3A, %add3A_340 : vector<16xf32>
      %div3A = arith.divf %sub3A_347, %sub3A_295 : vector<16xf32>
      %select_n3A_348 = arith.select %and3A_305, %div3A, %broadcast_in_dim3A_346 : vector<16xi1>, vector<16xf32>
      %swap3A_349 = arith.index_cast %mul3A_286 : i32 to index
      %swap3A_350 = tpu.vector_load %arg24[%swap3A_349] {strides = array<i32>} : memref<640xf32, #tpu.memory_space<vmem>>, vector<16xf32>,
      tpu.vector_store %arg24[%swap3A_349], %select_n3A_348 {strides = array<i32>} : memref<640xf32, #tpu.memory_space<vmem>>, vector<16xf32>,
      %sub3A_351 = arith.subf %gather3A_334, %add3A_344 : vector<16xf32>
      %div3A_352 = arith.divf %sub3A_351, %sub3A_296 : vector<16xf32>
      %select_n3A_353 = arith.select %and3A_305, %div3A_352, %broadcast_in_dim3A_346 : vector<16xi1>, vector<16xf32>
      %swap3A_354 = arith.index_cast %mul3A_286 : i32 to index
      %swap3A_355 = tpu.vector_load %arg25[%swap3A_354] {strides = array<i32>} : memref<640xf32, #tpu.memory_space<vmem>>, vector<16xf32>,
      tpu.vector_store %arg25[%swap3A_354], %select_n3A_353 {strides = array<i32>} : memref<640xf32, #tpu.memory_space<vmem>>, vector<16xf32>,
      %div3A_356 = arith.divf %gather3A_335, %sub3A_295 : vector<16xf32>
      %bitcast3A = vector.bitcast %div3A_356 : vector<16xf32> to vector<16xi32>
      %shift_right_arithmetic3A = arith.constant 23 : i32
      %shift_right_arithmetic3A_357 = vector.broadcast %shift_right_arithmetic3A : i32 to vector<16xi32>
      %shift_right_arithmetic3A_358 = arith.shrsi %bitcast3A, %shift_right_arithmetic3A_357 : vector<16xi32>
      %and3A_359 = arith.constant 255 : i32
      %and3A_360 = vector.broadcast %and3A_359 : i32 to vector<16xi32>
      %and3A_361 = arith.andi %shift_right_arithmetic3A_358, %and3A_360 : vector<16xi32>
      %sub3A_362 = arith.constant 127 : i32
      %sub3A_363 = vector.broadcast %sub3A_362 : i32 to vector<16xi32>
      %sub3A_364 = arith.subi %and3A_361, %sub3A_363 : vector<16xi32>
      %and3A_365 = arith.constant 8388607 : i32
      %and3A_366 = vector.broadcast %and3A_365 : i32 to vector<16xi32>
      %and3A_367 = arith.andi %bitcast3A, %and3A_366 : vector<16xi32>
      %or3A = arith.constant 1065353216 : i32
      %or3A_368 = vector.broadcast %or3A : i32 to vector<16xi32>
      %or3A_369 = arith.ori %and3A_367, %or3A_368 : vector<16xi32>
      %bitcast3A_370 = vector.bitcast %or3A_369 : vector<16xi32> to vector<16xf32>
      %mul3A_371 = arith.constant 5.000000e-01 : f32
      %mul3A_372 = vector.broadcast %mul3A_371 : f32 to vector<16xf32>
      %mul3A_373 = arith.mulf %bitcast3A_370, %mul3A_372 : vector<16xf32>
      %ge3A_374 = arith.constant 0.707106769 : f32
      %ge3A_375 = vector.broadcast %ge3A_374 : f32 to vector<16xf32>
      %ge3A_376 = arith.cmpf oge, %mul3A_373, %ge3A_375 : vector<16xf32>
      %select_n3A_377 = arith.select %ge3A_376, %mul3A_373, %bitcast3A_370 : vector<16xi1>, vector<16xf32>
      %sub3A_378 = arith.constant 1.000000e+00 : f32
      %sub3A_379 = vector.broadcast %sub3A_378 : f32 to vector<16xf32>
      %sub3A_380 = arith.subf %select_n3A_377, %sub3A_379 : vector<16xf32>
      %jit3A_381 = arith.constant 1 : i32
      %jit3A_382 = arith.constant 0 : i32
      %broadcast_in_dim3A_383 = vector.broadcast %jit3A_381 : i32 to vector<16xi32>
      %broadcast_in_dim3A_384 = vector.broadcast %jit3A_382 : i32 to vector<16xi32>
      %select_n3A_385 = arith.select %ge3A_376, %broadcast_in_dim3A_383, %broadcast_in_dim3A_384 : vector<16xi1>, vector<16xi32>
      %add3A_386 = arith.addi %sub3A_364, %select_n3A_385 : vector<16xi32>
      %convert_element_type3A_387 = arith.sitofp %add3A_386 : vector<16xi32> to vector<16xf32>
      %mul3A_388 = arith.mulf %sub3A_380, %sub3A_380 : vector<16xf32>
      %broadcast_in_dim3A_389 = arith.constant 0.0703768358 : f32
      %broadcast_in_dim3A_390 = vector.broadcast %broadcast_in_dim3A_389 : f32 to vector<16xf32>
      %mul3A_391 = arith.mulf %broadcast_in_dim3A_390, %sub3A_380 : vector<16xf32>
      %add3A_392 = arith.constant -0.115146101 : f32
      %add3A_393 = vector.broadcast %add3A_392 : f32 to vector<16xf32>
      %add3A_394 = arith.addf %mul3A_391, %add3A_393 : vector<16xf32>
      %mul3A_395 = arith.mulf %add3A_394, %sub3A_380 : vector<16xf32>
      %add3A_396 = arith.constant 0.116769984 : f32
      %add3A_397 = vector.broadcast %add3A_396 : f32 to vector<16xf32>
      %add3A_398 = arith.addf %mul3A_395, %add3A_397 : vector<16xf32>
      %mul3A_399 = arith.mulf %add3A_398, %sub3A_380 : vector<16xf32>
      %add3A_400 = arith.constant -0.12420141 : f32
      %add3A_401 = vector.broadcast %add3A_400 : f32 to vector<16xf32>
      %add3A_402 = arith.addf %mul3A_399, %add3A_401 : vector<16xf32>
      %mul3A_403 = arith.mulf %add3A_402, %sub3A_380 : vector<16xf32>
      %add3A_404 = arith.constant 0.142493233 : f32
      %add3A_405 = vector.broadcast %add3A_404 : f32 to vector<16xf32>
      %add3A_406 = arith.addf %mul3A_403, %add3A_405 : vector<16xf32>
      %mul3A_407 = arith.mulf %add3A_406, %sub3A_380 : vector<16xf32>
      %add3A_408 = arith.constant -0.166680574 : f32
      %add3A_409 = vector.broadcast %add3A_408 : f32 to vector<16xf32>
      %add3A_410 = arith.addf %mul3A_407, %add3A_409 : vector<16xf32>
      %mul3A_411 = arith.mulf %add3A_410, %sub3A_380 : vector<16xf32>
      %add3A_412 = arith.constant 0.200007141 : f32
      %add3A_413 = vector.broadcast %add3A_412 : f32 to vector<16xf32>
      %add3A_414 = arith.addf %mul3A_411, %add3A_413 : vector<16xf32>
      %mul3A_415 = arith.mulf %add3A_414, %sub3A_380 : vector<16xf32>
      %add3A_416 = arith.constant -0.24999994 : f32
      %add3A_417 = vector.broadcast %add3A_416 : f32 to vector<16xf32>
      %add3A_418 = arith.addf %mul3A_415, %add3A_417 : vector<16xf32>
      %mul3A_419 = arith.mulf %add3A_418, %sub3A_380 : vector<16xf32>
      %add3A_420 = arith.constant 0.333333313 : f32
      %add3A_421 = vector.broadcast %add3A_420 : f32 to vector<16xf32>
      %add3A_422 = arith.addf %mul3A_419, %add3A_421 : vector<16xf32>
      %mul3A_423 = arith.mulf %sub3A_380, %mul3A_388 : vector<16xf32>
      %mul3A_424 = arith.mulf %mul3A_423, %add3A_422 : vector<16xf32>
      %mul3A_425 = arith.constant -2.12194442E-4 : f32
      %mul3A_426 = vector.broadcast %mul3A_425 : f32 to vector<16xf32>
      %mul3A_427 = arith.mulf %convert_element_type3A_387, %mul3A_426 : vector<16xf32>
      %add3A_428 = arith.addf %mul3A_424, %mul3A_427 : vector<16xf32>
      %mul3A_429 = arith.constant 5.000000e-01 : f32
      %mul3A_430 = vector.broadcast %mul3A_429 : f32 to vector<16xf32>
      %mul3A_431 = arith.mulf %mul3A_430, %mul3A_388 : vector<16xf32>
      %sub3A_432 = arith.subf %add3A_428, %mul3A_431 : vector<16xf32>
      %add3A_433 = arith.addf %sub3A_380, %sub3A_432 : vector<16xf32>
      %mul3A_434 = arith.constant 0.693359375 : f32
      %mul3A_435 = vector.broadcast %mul3A_434 : f32 to vector<16xf32>
      %mul3A_436 = arith.mulf %convert_element_type3A_387, %mul3A_435 : vector<16xf32>
      %add3A_437 = arith.addf %add3A_433, %mul3A_436 : vector<16xf32>
      %select_n3A_438 = arith.select %and3A_305, %add3A_437, %broadcast_in_dim3A_346 : vector<16xi1>, vector<16xf32>
      %swap3A_439 = arith.index_cast %mul3A_286 : i32 to index
      %swap3A_440 = tpu.vector_load %arg26[%swap3A_439] {strides = array<i32>} : memref<640xf32, #tpu.memory_space<vmem>>, vector<16xf32>,
      tpu.vector_store %arg26[%swap3A_439], %select_n3A_438 {strides = array<i32>} : memref<640xf32, #tpu.memory_space<vmem>>, vector<16xf32>,
      %div3A_441 = arith.divf %gather3A_336, %sub3A_296 : vector<16xf32>
      %bitcast3A_442 = vector.bitcast %div3A_441 : vector<16xf32> to vector<16xi32>
      %shift_right_arithmetic3A_443 = arith.constant 23 : i32
      %shift_right_arithmetic3A_444 = vector.broadcast %shift_right_arithmetic3A_443 : i32 to vector<16xi32>
      %shift_right_arithmetic3A_445 = arith.shrsi %bitcast3A_442, %shift_right_arithmetic3A_444 : vector<16xi32>
      %and3A_446 = arith.constant 255 : i32
      %and3A_447 = vector.broadcast %and3A_446 : i32 to vector<16xi32>
      %and3A_448 = arith.andi %shift_right_arithmetic3A_445, %and3A_447 : vector<16xi32>
      %sub3A_449 = arith.constant 127 : i32
      %sub3A_450 = vector.broadcast %sub3A_449 : i32 to vector<16xi32>
      %sub3A_451 = arith.subi %and3A_448, %sub3A_450 : vector<16xi32>
      %and3A_452 = arith.constant 8388607 : i32
      %and3A_453 = vector.broadcast %and3A_452 : i32 to vector<16xi32>
      %and3A_454 = arith.andi %bitcast3A_442, %and3A_453 : vector<16xi32>
      %or3A_455 = arith.constant 1065353216 : i32
      %or3A_456 = vector.broadcast %or3A_455 : i32 to vector<16xi32>
      %or3A_457 = arith.ori %and3A_454, %or3A_456 : vector<16xi32>
      %bitcast3A_458 = vector.bitcast %or3A_457 : vector<16xi32> to vector<16xf32>
      %mul3A_459 = arith.constant 5.000000e-01 : f32
      %mul3A_460 = vector.broadcast %mul3A_459 : f32 to vector<16xf32>
      %mul3A_461 = arith.mulf %bitcast3A_458, %mul3A_460 : vector<16xf32>
      %ge3A_462 = arith.constant 0.707106769 : f32
      %ge3A_463 = vector.broadcast %ge3A_462 : f32 to vector<16xf32>
      %ge3A_464 = arith.cmpf oge, %mul3A_461, %ge3A_463 : vector<16xf32>
      %select_n3A_465 = arith.select %ge3A_464, %mul3A_461, %bitcast3A_458 : vector<16xi1>, vector<16xf32>
      %sub3A_466 = arith.constant 1.000000e+00 : f32
      %sub3A_467 = vector.broadcast %sub3A_466 : f32 to vector<16xf32>
      %sub3A_468 = arith.subf %select_n3A_465, %sub3A_467 : vector<16xf32>
      %jit3A_469 = arith.constant 1 : i32
      %jit3A_470 = arith.constant 0 : i32
      %broadcast_in_dim3A_471 = vector.broadcast %jit3A_469 : i32 to vector<16xi32>
      %broadcast_in_dim3A_472 = vector.broadcast %jit3A_470 : i32 to vector<16xi32>
      %select_n3A_473 = arith.select %ge3A_464, %broadcast_in_dim3A_471, %broadcast_in_dim3A_472 : vector<16xi1>, vector<16xi32>
      %add3A_474 = arith.addi %sub3A_451, %select_n3A_473 : vector<16xi32>
      %convert_element_type3A_475 = arith.sitofp %add3A_474 : vector<16xi32> to vector<16xf32>
      %mul3A_476 = arith.mulf %sub3A_468, %sub3A_468 : vector<16xf32>
      %broadcast_in_dim3A_477 = arith.constant 0.0703768358 : f32
      %broadcast_in_dim3A_478 = vector.broadcast %broadcast_in_dim3A_477 : f32 to vector<16xf32>
      %mul3A_479 = arith.mulf %broadcast_in_dim3A_478, %sub3A_468 : vector<16xf32>
      %add3A_480 = arith.constant -0.115146101 : f32
      %add3A_481 = vector.broadcast %add3A_480 : f32 to vector<16xf32>
      %add3A_482 = arith.addf %mul3A_479, %add3A_481 : vector<16xf32>
      %mul3A_483 = arith.mulf %add3A_482, %sub3A_468 : vector<16xf32>
      %add3A_484 = arith.constant 0.116769984 : f32
      %add3A_485 = vector.broadcast %add3A_484 : f32 to vector<16xf32>
      %add3A_486 = arith.addf %mul3A_483, %add3A_485 : vector<16xf32>
      %mul3A_487 = arith.mulf %add3A_486, %sub3A_468 : vector<16xf32>
      %add3A_488 = arith.constant -0.12420141 : f32
      %add3A_489 = vector.broadcast %add3A_488 : f32 to vector<16xf32>
      %add3A_490 = arith.addf %mul3A_487, %add3A_489 : vector<16xf32>
      %mul3A_491 = arith.mulf %add3A_490, %sub3A_468 : vector<16xf32>
      %add3A_492 = arith.constant 0.142493233 : f32
      %add3A_493 = vector.broadcast %add3A_492 : f32 to vector<16xf32>
      %add3A_494 = arith.addf %mul3A_491, %add3A_493 : vector<16xf32>
      %mul3A_495 = arith.mulf %add3A_494, %sub3A_468 : vector<16xf32>
      %add3A_496 = arith.constant -0.166680574 : f32
      %add3A_497 = vector.broadcast %add3A_496 : f32 to vector<16xf32>
      %add3A_498 = arith.addf %mul3A_495, %add3A_497 : vector<16xf32>
      %mul3A_499 = arith.mulf %add3A_498, %sub3A_468 : vector<16xf32>
      %add3A_500 = arith.constant 0.200007141 : f32
      %add3A_501 = vector.broadcast %add3A_500 : f32 to vector<16xf32>
      %add3A_502 = arith.addf %mul3A_499, %add3A_501 : vector<16xf32>
      %mul3A_503 = arith.mulf %add3A_502, %sub3A_468 : vector<16xf32>
      %add3A_504 = arith.constant -0.24999994 : f32
      %add3A_505 = vector.broadcast %add3A_504 : f32 to vector<16xf32>
      %add3A_506 = arith.addf %mul3A_503, %add3A_505 : vector<16xf32>
      %mul3A_507 = arith.mulf %add3A_506, %sub3A_468 : vector<16xf32>
      %add3A_508 = arith.constant 0.333333313 : f32
      %add3A_509 = vector.broadcast %add3A_508 : f32 to vector<16xf32>
      %add3A_510 = arith.addf %mul3A_507, %add3A_509 : vector<16xf32>
      %mul3A_511 = arith.mulf %sub3A_468, %mul3A_476 : vector<16xf32>
      %mul3A_512 = arith.mulf %mul3A_511, %add3A_510 : vector<16xf32>
      %mul3A_513 = arith.constant -2.12194442E-4 : f32
      %mul3A_514 = vector.broadcast %mul3A_513 : f32 to vector<16xf32>
      %mul3A_515 = arith.mulf %convert_element_type3A_475, %mul3A_514 : vector<16xf32>
      %add3A_516 = arith.addf %mul3A_512, %mul3A_515 : vector<16xf32>
      %mul3A_517 = arith.constant 5.000000e-01 : f32
      %mul3A_518 = vector.broadcast %mul3A_517 : f32 to vector<16xf32>
      %mul3A_519 = arith.mulf %mul3A_518, %mul3A_476 : vector<16xf32>
      %sub3A_520 = arith.subf %add3A_516, %mul3A_519 : vector<16xf32>
      %add3A_521 = arith.addf %sub3A_468, %sub3A_520 : vector<16xf32>
      %mul3A_522 = arith.constant 0.693359375 : f32
      %mul3A_523 = vector.broadcast %mul3A_522 : f32 to vector<16xf32>
      %mul3A_524 = arith.mulf %convert_element_type3A_475, %mul3A_523 : vector<16xf32>
      %add3A_525 = arith.addf %add3A_521, %mul3A_524 : vector<16xf32>
      %select_n3A_526 = arith.select %and3A_305, %add3A_525, %broadcast_in_dim3A_346 : vector<16xi1>, vector<16xf32>
      %swap3A_527 = arith.index_cast %mul3A_286 : i32 to index
      %swap3A_528 = tpu.vector_load %arg27[%swap3A_527] {strides = array<i32>} : memref<640xf32, #tpu.memory_space<vmem>>, vector<16xf32>,
      tpu.vector_store %arg27[%swap3A_527], %select_n3A_526 {strides = array<i32>} : memref<640xf32, #tpu.memory_space<vmem>>, vector<16xf32>,
      %jit3A_529 = arith.constant 1.000000e+00 : f32
      %jit3A_530 = arith.constant 0.000000e+00 : f32
      %broadcast_in_dim3A_531 = vector.broadcast %jit3A_529 : f32 to vector<16xf32>
      %broadcast_in_dim3A_532 = vector.broadcast %jit3A_530 : f32 to vector<16xf32>
      %select_n3A_533 = arith.select %ge3A_320, %broadcast_in_dim3A_531, %broadcast_in_dim3A_532 : vector<16xi1>, vector<16xf32>
      %jit3A_534 = arith.constant 1.000000e+00 : f32
      %broadcast_in_dim3A_535 = vector.broadcast %jit3A_534 : f32 to vector<16xf32>
      %select_n3A_536 = arith.select %and3A_305, %select_n3A_533, %broadcast_in_dim3A_535 : vector<16xi1>, vector<16xf32>
      %swap3A_537 = arith.index_cast %mul3A_286 : i32 to index
      %swap3A_538 = tpu.vector_load %arg28[%swap3A_537] {strides = array<i32>} : memref<640xf32, #tpu.memory_space<vmem>>, vector<16xf32>,
      tpu.vector_store %arg28[%swap3A_537], %select_n3A_536 {strides = array<i32>} : memref<640xf32, #tpu.memory_space<vmem>>, vector<16xf32>,
      %or3A_539 = arith.ori %lt3A_317, %ge3A_320 : vector<16xi1>
      %jit3A_540 = arith.constant 2.000000e+00 : f32
      %jit3A_541 = arith.constant 0.000000e+00 : f32
      %broadcast_in_dim3A_542 = vector.broadcast %jit3A_540 : f32 to vector<16xf32>
      %broadcast_in_dim3A_543 = vector.broadcast %jit3A_541 : f32 to vector<16xf32>
      %select_n3A_544 = arith.select %or3A_539, %broadcast_in_dim3A_542, %broadcast_in_dim3A_543 : vector<16xi1>, vector<16xf32>
      %jit3A_545 = arith.constant 1.000000e+00 : f32
      %broadcast_in_dim3A_546 = vector.broadcast %jit3A_545 : f32 to vector<16xf32>
      %select_n3A_547 = arith.select %and3A_305, %select_n3A_544, %broadcast_in_dim3A_546 : vector<16xi1>, vector<16xf32>
      %swap3A_548 = arith.index_cast %mul3A_286 : i32 to index
      %swap3A_549 = tpu.vector_load %arg29[%swap3A_548] {strides = array<i32>} : memref<640xf32, #tpu.memory_space<vmem>>, vector<16xf32>,
      tpu.vector_store %arg29[%swap3A_548], %select_n3A_547 {strides = array<i32>} : memref<640xf32, #tpu.memory_space<vmem>>, vector<16xf32>,
      %or3A_550 = arith.ori %lt3A_317, %ge3A_320 : vector<16xi1>
      %and3A_551 = arith.andi %and3A_305, %or3A_550 : vector<16xi1>
      %jit3A_552 = arith.constant 1.000000e+00 : f32
      %jit3A_553 = arith.constant 0.000000e+00 : f32
      %broadcast_in_dim3A_554 = vector.broadcast %jit3A_552 : f32 to vector<16xf32>
      %broadcast_in_dim3A_555 = vector.broadcast %jit3A_553 : f32 to vector<16xf32>
      %select_n3A_556 = arith.select %and3A_551, %broadcast_in_dim3A_554, %broadcast_in_dim3A_555 : vector<16xi1>, vector<16xf32>
      %add3A_557 = arith.addf %while3A_284, %select_n3A_556 : vector<16xf32>
      scf.yield %add3A_557 : vector<16xf32>
    }
    %swap3A_188 = arith.constant 0 : index
    %swap3A_189 = tpu.vector_load %arg31[%swap3A_188] {strides = array<i32>} : memref<16xf32, #tpu.memory_space<vmem>>, vector<16xf32>,
    tpu.vector_store %arg31[%swap3A_188], %while3A_187 {strides = array<i32>} : memref<16xf32, #tpu.memory_space<vmem>>, vector<16xf32>,
    %dma_start3A_190 = arith.constant 0 : i32
    %dma_start3A_191 = tpu.memref_slice %arg23[%dma_start3A_190] : memref<640xf32, #tpu.memory_space<vmem>> -> memref<624xf32, #tpu.memory_space<vmem>>
    %dma_start3A_192 = tpu.memref_slice %arg5[%mul3A_2] : memref<20000xf32, #tpu.memory_space<hbm>> -> memref<624xf32, #tpu.memory_space<hbm>>
    %dma_start3A_193 = tpu.memref_slice %arg5[%mul3A_2] : memref<20000xf32, #tpu.memory_space<hbm>> -> memref<624xf32, #tpu.memory_space<hbm>>
    %dma_start3A_194 = arith.constant 0 : i32
    %dma_start3A_195 = tpu.memref_slice %arg23[%dma_start3A_194] : memref<640xf32, #tpu.memory_space<vmem>> -> memref<624xf32, #tpu.memory_space<vmem>>
    tpu.enqueue_dma source(%dma_start3A_195 : memref<624xf32, #tpu.memory_space<vmem>>) target(%dma_start3A_193 : memref<624xf32, #tpu.memory_space<hbm>>) target_semaphore(%arg32 : memref<!tpu.dma_semaphore, #tpu.memory_space<semaphore_mem>>)
    %dma_start3A_196 = arith.constant 0 : i32
    %dma_start3A_197 = tpu.memref_slice %arg24[%dma_start3A_196] : memref<640xf32, #tpu.memory_space<vmem>> -> memref<624xf32, #tpu.memory_space<vmem>>
    %dma_start3A_198 = tpu.memref_slice %arg6[%mul3A_2] : memref<20000xf32, #tpu.memory_space<hbm>> -> memref<624xf32, #tpu.memory_space<hbm>>
    %dma_start3A_199 = tpu.memref_slice %arg6[%mul3A_2] : memref<20000xf32, #tpu.memory_space<hbm>> -> memref<624xf32, #tpu.memory_space<hbm>>
    %dma_start3A_200 = arith.constant 0 : i32
    %dma_start3A_201 = tpu.memref_slice %arg24[%dma_start3A_200] : memref<640xf32, #tpu.memory_space<vmem>> -> memref<624xf32, #tpu.memory_space<vmem>>
    tpu.enqueue_dma source(%dma_start3A_201 : memref<624xf32, #tpu.memory_space<vmem>>) target(%dma_start3A_199 : memref<624xf32, #tpu.memory_space<hbm>>) target_semaphore(%arg32 : memref<!tpu.dma_semaphore, #tpu.memory_space<semaphore_mem>>)
    %dma_start3A_202 = arith.constant 0 : i32
    %dma_start3A_203 = tpu.memref_slice %arg25[%dma_start3A_202] : memref<640xf32, #tpu.memory_space<vmem>> -> memref<624xf32, #tpu.memory_space<vmem>>
    %dma_start3A_204 = tpu.memref_slice %arg7[%mul3A_2] : memref<20000xf32, #tpu.memory_space<hbm>> -> memref<624xf32, #tpu.memory_space<hbm>>
    %dma_start3A_205 = tpu.memref_slice %arg7[%mul3A_2] : memref<20000xf32, #tpu.memory_space<hbm>> -> memref<624xf32, #tpu.memory_space<hbm>>
    %dma_start3A_206 = arith.constant 0 : i32
    %dma_start3A_207 = tpu.memref_slice %arg25[%dma_start3A_206] : memref<640xf32, #tpu.memory_space<vmem>> -> memref<624xf32, #tpu.memory_space<vmem>>
    tpu.enqueue_dma source(%dma_start3A_207 : memref<624xf32, #tpu.memory_space<vmem>>) target(%dma_start3A_205 : memref<624xf32, #tpu.memory_space<hbm>>) target_semaphore(%arg32 : memref<!tpu.dma_semaphore, #tpu.memory_space<semaphore_mem>>)
    %dma_start3A_208 = arith.constant 0 : i32
    %dma_start3A_209 = tpu.memref_slice %arg26[%dma_start3A_208] : memref<640xf32, #tpu.memory_space<vmem>> -> memref<624xf32, #tpu.memory_space<vmem>>
    %dma_start3A_210 = tpu.memref_slice %arg8[%mul3A_2] : memref<20000xf32, #tpu.memory_space<hbm>> -> memref<624xf32, #tpu.memory_space<hbm>>
    %dma_start3A_211 = tpu.memref_slice %arg8[%mul3A_2] : memref<20000xf32, #tpu.memory_space<hbm>> -> memref<624xf32, #tpu.memory_space<hbm>>
    %dma_start3A_212 = arith.constant 0 : i32
    %dma_start3A_213 = tpu.memref_slice %arg26[%dma_start3A_212] : memref<640xf32, #tpu.memory_space<vmem>> -> memref<624xf32, #tpu.memory_space<vmem>>
    tpu.enqueue_dma source(%dma_start3A_213 : memref<624xf32, #tpu.memory_space<vmem>>) target(%dma_start3A_211 : memref<624xf32, #tpu.memory_space<hbm>>) target_semaphore(%arg32 : memref<!tpu.dma_semaphore, #tpu.memory_space<semaphore_mem>>)
    %dma_start3A_214 = arith.constant 0 : i32
    %dma_start3A_215 = tpu.memref_slice %arg27[%dma_start3A_214] : memref<640xf32, #tpu.memory_space<vmem>> -> memref<624xf32, #tpu.memory_space<vmem>>
    %dma_start3A_216 = tpu.memref_slice %arg9[%mul3A_2] : memref<20000xf32, #tpu.memory_space<hbm>> -> memref<624xf32, #tpu.memory_space<hbm>>
    %dma_start3A_217 = tpu.memref_slice %arg9[%mul3A_2] : memref<20000xf32, #tpu.memory_space<hbm>> -> memref<624xf32, #tpu.memory_space<hbm>>
    %dma_start3A_218 = arith.constant 0 : i32
    %dma_start3A_219 = tpu.memref_slice %arg27[%dma_start3A_218] : memref<640xf32, #tpu.memory_space<vmem>> -> memref<624xf32, #tpu.memory_space<vmem>>
    tpu.enqueue_dma source(%dma_start3A_219 : memref<624xf32, #tpu.memory_space<vmem>>) target(%dma_start3A_217 : memref<624xf32, #tpu.memory_space<hbm>>) target_semaphore(%arg32 : memref<!tpu.dma_semaphore, #tpu.memory_space<semaphore_mem>>)
    %dma_start3A_220 = arith.constant 0 : i32
    %dma_start3A_221 = tpu.memref_slice %arg28[%dma_start3A_220] : memref<640xf32, #tpu.memory_space<vmem>> -> memref<624xf32, #tpu.memory_space<vmem>>
    %dma_start3A_222 = tpu.memref_slice %arg10[%mul3A_2] : memref<20000xf32, #tpu.memory_space<hbm>> -> memref<624xf32, #tpu.memory_space<hbm>>
    %dma_start3A_223 = tpu.memref_slice %arg10[%mul3A_2] : memref<20000xf32, #tpu.memory_space<hbm>> -> memref<624xf32, #tpu.memory_space<hbm>>
    %dma_start3A_224 = arith.constant 0 : i32
    %dma_start3A_225 = tpu.memref_slice %arg28[%dma_start3A_224] : memref<640xf32, #tpu.memory_space<vmem>> -> memref<624xf32, #tpu.memory_space<vmem>>
    tpu.enqueue_dma source(%dma_start3A_225 : memref<624xf32, #tpu.memory_space<vmem>>) target(%dma_start3A_223 : memref<624xf32, #tpu.memory_space<hbm>>) target_semaphore(%arg32 : memref<!tpu.dma_semaphore, #tpu.memory_space<semaphore_mem>>)
    %dma_start3A_226 = arith.constant 0 : i32
    %dma_start3A_227 = tpu.memref_slice %arg29[%dma_start3A_226] : memref<640xf32, #tpu.memory_space<vmem>> -> memref<624xf32, #tpu.memory_space<vmem>>
    %dma_start3A_228 = tpu.memref_slice %arg11[%mul3A_2] : memref<20000xf32, #tpu.memory_space<hbm>> -> memref<624xf32, #tpu.memory_space<hbm>>
    %dma_start3A_229 = tpu.memref_slice %arg11[%mul3A_2] : memref<20000xf32, #tpu.memory_space<hbm>> -> memref<624xf32, #tpu.memory_space<hbm>>
    %dma_start3A_230 = arith.constant 0 : i32
    %dma_start3A_231 = tpu.memref_slice %arg29[%dma_start3A_230] : memref<640xf32, #tpu.memory_space<vmem>> -> memref<624xf32, #tpu.memory_space<vmem>>
    tpu.enqueue_dma source(%dma_start3A_231 : memref<624xf32, #tpu.memory_space<vmem>>) target(%dma_start3A_229 : memref<624xf32, #tpu.memory_space<hbm>>) target_semaphore(%arg32 : memref<!tpu.dma_semaphore, #tpu.memory_space<semaphore_mem>>)
    %mul3A_232 = arith.constant 16 : i32
    %mul3A_233 = arith.muli %add3A, %mul3A_232 : i32
    %dma_start3A_234 = tpu.memref_slice %arg12[%mul3A_233] : memref<512xf32, #tpu.memory_space<hbm>> -> memref<16xf32, #tpu.memory_space<hbm>>
    %dma_start3A_235 = tpu.memref_slice %arg12[%mul3A_233] : memref<512xf32, #tpu.memory_space<hbm>> -> memref<16xf32, #tpu.memory_space<hbm>>
    tpu.enqueue_dma source(%arg31 : memref<16xf32, #tpu.memory_space<vmem>>) target(%dma_start3A_235 : memref<16xf32, #tpu.memory_space<hbm>>) target_semaphore(%arg32 : memref<!tpu.dma_semaphore, #tpu.memory_space<semaphore_mem>>)
    %convert_element_type3A_236 = arith.extui %lt3A_3 : i1 to i32
    %cond3A_237 = arith.constant 0 : i32
    %cond3A_238 = arith.cmpi ne, %convert_element_type3A_236, %cond3A_237 : i32
    scf.if %cond3A_238 {
      %mul3A_283 = arith.constant 16 : i32
      %mul3A_284 = arith.muli %add3A, %mul3A_283 : i32
      %add3A_285 = arith.constant 19968 : i32
      %add3A_286 = arith.addi %add3A_285, %mul3A_284 : i32
      %dma_start3A_287 = arith.constant 624 : i32
      %dma_start3A_288 = tpu.memref_slice %arg23[%dma_start3A_287] : memref<640xf32, #tpu.memory_space<vmem>> -> memref<16xf32, #tpu.memory_space<vmem>>
      %dma_start3A_289 = tpu.memref_slice %arg5[%add3A_286] : memref<20000xf32, #tpu.memory_space<hbm>> -> memref<16xf32, #tpu.memory_space<hbm>>
      %dma_start3A_290 = tpu.memref_slice %arg5[%add3A_286] : memref<20000xf32, #tpu.memory_space<hbm>> -> memref<16xf32, #tpu.memory_space<hbm>>
      %dma_start3A_291 = arith.constant 624 : i32
      %dma_start3A_292 = tpu.memref_slice %arg23[%dma_start3A_291] : memref<640xf32, #tpu.memory_space<vmem>> -> memref<16xf32, #tpu.memory_space<vmem>>
      tpu.enqueue_dma source(%dma_start3A_292 : memref<16xf32, #tpu.memory_space<vmem>>) target(%dma_start3A_290 : memref<16xf32, #tpu.memory_space<hbm>>) target_semaphore(%arg32 : memref<!tpu.dma_semaphore, #tpu.memory_space<semaphore_mem>>)
      %dma_wait3A_293 = arith.constant 624 : i32
      %dma_wait3A_294 = tpu.memref_slice %arg23[%dma_wait3A_293] : memref<640xf32, #tpu.memory_space<vmem>> -> memref<16xf32, #tpu.memory_space<vmem>>
      %dma_wait3A_295 = tpu.memref_slice %arg5[%add3A_286] : memref<20000xf32, #tpu.memory_space<hbm>> -> memref<16xf32, #tpu.memory_space<hbm>>
      %dma_wait3A_296 = tpu.memref_slice %arg5[%add3A_286] : memref<20000xf32, #tpu.memory_space<hbm>> -> memref<16xf32, #tpu.memory_space<hbm>>
      %dma_wait3A_297 = arith.constant 624 : i32
      %dma_wait3A_298 = tpu.memref_slice %arg23[%dma_wait3A_297] : memref<640xf32, #tpu.memory_space<vmem>> -> memref<16xf32, #tpu.memory_space<vmem>>
      tpu.wait_dma2 semaphore(%arg32 : memref<!tpu.dma_semaphore, #tpu.memory_space<semaphore_mem>>) src(%dma_wait3A_298 : memref<16xf32, #tpu.memory_space<vmem>>) dst(%dma_wait3A_296 : memref<16xf32, #tpu.memory_space<hbm>>)
      %dma_start3A_299 = arith.constant 624 : i32
      %dma_start3A_300 = tpu.memref_slice %arg24[%dma_start3A_299] : memref<640xf32, #tpu.memory_space<vmem>> -> memref<16xf32, #tpu.memory_space<vmem>>
      %dma_start3A_301 = tpu.memref_slice %arg6[%add3A_286] : memref<20000xf32, #tpu.memory_space<hbm>> -> memref<16xf32, #tpu.memory_space<hbm>>
      %dma_start3A_302 = tpu.memref_slice %arg6[%add3A_286] : memref<20000xf32, #tpu.memory_space<hbm>> -> memref<16xf32, #tpu.memory_space<hbm>>
      %dma_start3A_303 = arith.constant 624 : i32
      %dma_start3A_304 = tpu.memref_slice %arg24[%dma_start3A_303] : memref<640xf32, #tpu.memory_space<vmem>> -> memref<16xf32, #tpu.memory_space<vmem>>
      tpu.enqueue_dma source(%dma_start3A_304 : memref<16xf32, #tpu.memory_space<vmem>>) target(%dma_start3A_302 : memref<16xf32, #tpu.memory_space<hbm>>) target_semaphore(%arg32 : memref<!tpu.dma_semaphore, #tpu.memory_space<semaphore_mem>>)
      %dma_wait3A_305 = arith.constant 624 : i32
      %dma_wait3A_306 = tpu.memref_slice %arg24[%dma_wait3A_305] : memref<640xf32, #tpu.memory_space<vmem>> -> memref<16xf32, #tpu.memory_space<vmem>>
      %dma_wait3A_307 = tpu.memref_slice %arg6[%add3A_286] : memref<20000xf32, #tpu.memory_space<hbm>> -> memref<16xf32, #tpu.memory_space<hbm>>
      %dma_wait3A_308 = tpu.memref_slice %arg6[%add3A_286] : memref<20000xf32, #tpu.memory_space<hbm>> -> memref<16xf32, #tpu.memory_space<hbm>>
      %dma_wait3A_309 = arith.constant 624 : i32
      %dma_wait3A_310 = tpu.memref_slice %arg24[%dma_wait3A_309] : memref<640xf32, #tpu.memory_space<vmem>> -> memref<16xf32, #tpu.memory_space<vmem>>
      tpu.wait_dma2 semaphore(%arg32 : memref<!tpu.dma_semaphore, #tpu.memory_space<semaphore_mem>>) src(%dma_wait3A_310 : memref<16xf32, #tpu.memory_space<vmem>>) dst(%dma_wait3A_308 : memref<16xf32, #tpu.memory_space<hbm>>)
      %dma_start3A_311 = arith.constant 624 : i32
      %dma_start3A_312 = tpu.memref_slice %arg25[%dma_start3A_311] : memref<640xf32, #tpu.memory_space<vmem>> -> memref<16xf32, #tpu.memory_space<vmem>>
      %dma_start3A_313 = tpu.memref_slice %arg7[%add3A_286] : memref<20000xf32, #tpu.memory_space<hbm>> -> memref<16xf32, #tpu.memory_space<hbm>>
      %dma_start3A_314 = tpu.memref_slice %arg7[%add3A_286] : memref<20000xf32, #tpu.memory_space<hbm>> -> memref<16xf32, #tpu.memory_space<hbm>>
      %dma_start3A_315 = arith.constant 624 : i32
      %dma_start3A_316 = tpu.memref_slice %arg25[%dma_start3A_315] : memref<640xf32, #tpu.memory_space<vmem>> -> memref<16xf32, #tpu.memory_space<vmem>>
      tpu.enqueue_dma source(%dma_start3A_316 : memref<16xf32, #tpu.memory_space<vmem>>) target(%dma_start3A_314 : memref<16xf32, #tpu.memory_space<hbm>>) target_semaphore(%arg32 : memref<!tpu.dma_semaphore, #tpu.memory_space<semaphore_mem>>)
      %dma_wait3A_317 = arith.constant 624 : i32
      %dma_wait3A_318 = tpu.memref_slice %arg25[%dma_wait3A_317] : memref<640xf32, #tpu.memory_space<vmem>> -> memref<16xf32, #tpu.memory_space<vmem>>
      %dma_wait3A_319 = tpu.memref_slice %arg7[%add3A_286] : memref<20000xf32, #tpu.memory_space<hbm>> -> memref<16xf32, #tpu.memory_space<hbm>>
      %dma_wait3A_320 = tpu.memref_slice %arg7[%add3A_286] : memref<20000xf32, #tpu.memory_space<hbm>> -> memref<16xf32, #tpu.memory_space<hbm>>
      %dma_wait3A_321 = arith.constant 624 : i32
      %dma_wait3A_322 = tpu.memref_slice %arg25[%dma_wait3A_321] : memref<640xf32, #tpu.memory_space<vmem>> -> memref<16xf32, #tpu.memory_space<vmem>>
      tpu.wait_dma2 semaphore(%arg32 : memref<!tpu.dma_semaphore, #tpu.memory_space<semaphore_mem>>) src(%dma_wait3A_322 : memref<16xf32, #tpu.memory_space<vmem>>) dst(%dma_wait3A_320 : memref<16xf32, #tpu.memory_space<hbm>>)
      %dma_start3A_323 = arith.constant 624 : i32
      %dma_start3A_324 = tpu.memref_slice %arg26[%dma_start3A_323] : memref<640xf32, #tpu.memory_space<vmem>> -> memref<16xf32, #tpu.memory_space<vmem>>
      %dma_start3A_325 = tpu.memref_slice %arg8[%add3A_286] : memref<20000xf32, #tpu.memory_space<hbm>> -> memref<16xf32, #tpu.memory_space<hbm>>
      %dma_start3A_326 = tpu.memref_slice %arg8[%add3A_286] : memref<20000xf32, #tpu.memory_space<hbm>> -> memref<16xf32, #tpu.memory_space<hbm>>
      %dma_start3A_327 = arith.constant 624 : i32
      %dma_start3A_328 = tpu.memref_slice %arg26[%dma_start3A_327] : memref<640xf32, #tpu.memory_space<vmem>> -> memref<16xf32, #tpu.memory_space<vmem>>
      tpu.enqueue_dma source(%dma_start3A_328 : memref<16xf32, #tpu.memory_space<vmem>>) target(%dma_start3A_326 : memref<16xf32, #tpu.memory_space<hbm>>) target_semaphore(%arg32 : memref<!tpu.dma_semaphore, #tpu.memory_space<semaphore_mem>>)
      %dma_wait3A_329 = arith.constant 624 : i32
      %dma_wait3A_330 = tpu.memref_slice %arg26[%dma_wait3A_329] : memref<640xf32, #tpu.memory_space<vmem>> -> memref<16xf32, #tpu.memory_space<vmem>>
      %dma_wait3A_331 = tpu.memref_slice %arg8[%add3A_286] : memref<20000xf32, #tpu.memory_space<hbm>> -> memref<16xf32, #tpu.memory_space<hbm>>
      %dma_wait3A_332 = tpu.memref_slice %arg8[%add3A_286] : memref<20000xf32, #tpu.memory_space<hbm>> -> memref<16xf32, #tpu.memory_space<hbm>>
      %dma_wait3A_333 = arith.constant 624 : i32
      %dma_wait3A_334 = tpu.memref_slice %arg26[%dma_wait3A_333] : memref<640xf32, #tpu.memory_space<vmem>> -> memref<16xf32, #tpu.memory_space<vmem>>
      tpu.wait_dma2 semaphore(%arg32 : memref<!tpu.dma_semaphore, #tpu.memory_space<semaphore_mem>>) src(%dma_wait3A_334 : memref<16xf32, #tpu.memory_space<vmem>>) dst(%dma_wait3A_332 : memref<16xf32, #tpu.memory_space<hbm>>)
      %dma_start3A_335 = arith.constant 624 : i32
      %dma_start3A_336 = tpu.memref_slice %arg27[%dma_start3A_335] : memref<640xf32, #tpu.memory_space<vmem>> -> memref<16xf32, #tpu.memory_space<vmem>>
      %dma_start3A_337 = tpu.memref_slice %arg9[%add3A_286] : memref<20000xf32, #tpu.memory_space<hbm>> -> memref<16xf32, #tpu.memory_space<hbm>>
      %dma_start3A_338 = tpu.memref_slice %arg9[%add3A_286] : memref<20000xf32, #tpu.memory_space<hbm>> -> memref<16xf32, #tpu.memory_space<hbm>>
      %dma_start3A_339 = arith.constant 624 : i32
      %dma_start3A_340 = tpu.memref_slice %arg27[%dma_start3A_339] : memref<640xf32, #tpu.memory_space<vmem>> -> memref<16xf32, #tpu.memory_space<vmem>>
      tpu.enqueue_dma source(%dma_start3A_340 : memref<16xf32, #tpu.memory_space<vmem>>) target(%dma_start3A_338 : memref<16xf32, #tpu.memory_space<hbm>>) target_semaphore(%arg32 : memref<!tpu.dma_semaphore, #tpu.memory_space<semaphore_mem>>)
      %dma_wait3A_341 = arith.constant 624 : i32
      %dma_wait3A_342 = tpu.memref_slice %arg27[%dma_wait3A_341] : memref<640xf32, #tpu.memory_space<vmem>> -> memref<16xf32, #tpu.memory_space<vmem>>
      %dma_wait3A_343 = tpu.memref_slice %arg9[%add3A_286] : memref<20000xf32, #tpu.memory_space<hbm>> -> memref<16xf32, #tpu.memory_space<hbm>>
      %dma_wait3A_344 = tpu.memref_slice %arg9[%add3A_286] : memref<20000xf32, #tpu.memory_space<hbm>> -> memref<16xf32, #tpu.memory_space<hbm>>
      %dma_wait3A_345 = arith.constant 624 : i32
      %dma_wait3A_346 = tpu.memref_slice %arg27[%dma_wait3A_345] : memref<640xf32, #tpu.memory_space<vmem>> -> memref<16xf32, #tpu.memory_space<vmem>>
      tpu.wait_dma2 semaphore(%arg32 : memref<!tpu.dma_semaphore, #tpu.memory_space<semaphore_mem>>) src(%dma_wait3A_346 : memref<16xf32, #tpu.memory_space<vmem>>) dst(%dma_wait3A_344 : memref<16xf32, #tpu.memory_space<hbm>>)
      %dma_start3A_347 = arith.constant 624 : i32
      %dma_start3A_348 = tpu.memref_slice %arg28[%dma_start3A_347] : memref<640xf32, #tpu.memory_space<vmem>> -> memref<16xf32, #tpu.memory_space<vmem>>
      %dma_start3A_349 = tpu.memref_slice %arg10[%add3A_286] : memref<20000xf32, #tpu.memory_space<hbm>> -> memref<16xf32, #tpu.memory_space<hbm>>
      %dma_start3A_350 = tpu.memref_slice %arg10[%add3A_286] : memref<20000xf32, #tpu.memory_space<hbm>> -> memref<16xf32, #tpu.memory_space<hbm>>
      %dma_start3A_351 = arith.constant 624 : i32
      %dma_start3A_352 = tpu.memref_slice %arg28[%dma_start3A_351] : memref<640xf32, #tpu.memory_space<vmem>> -> memref<16xf32, #tpu.memory_space<vmem>>
      tpu.enqueue_dma source(%dma_start3A_352 : memref<16xf32, #tpu.memory_space<vmem>>) target(%dma_start3A_350 : memref<16xf32, #tpu.memory_space<hbm>>) target_semaphore(%arg32 : memref<!tpu.dma_semaphore, #tpu.memory_space<semaphore_mem>>)
      %dma_wait3A_353 = arith.constant 624 : i32
      %dma_wait3A_354 = tpu.memref_slice %arg28[%dma_wait3A_353] : memref<640xf32, #tpu.memory_space<vmem>> -> memref<16xf32, #tpu.memory_space<vmem>>
      %dma_wait3A_355 = tpu.memref_slice %arg10[%add3A_286] : memref<20000xf32, #tpu.memory_space<hbm>> -> memref<16xf32, #tpu.memory_space<hbm>>
      %dma_wait3A_356 = tpu.memref_slice %arg10[%add3A_286] : memref<20000xf32, #tpu.memory_space<hbm>> -> memref<16xf32, #tpu.memory_space<hbm>>
      %dma_wait3A_357 = arith.constant 624 : i32
      %dma_wait3A_358 = tpu.memref_slice %arg28[%dma_wait3A_357] : memref<640xf32, #tpu.memory_space<vmem>> -> memref<16xf32, #tpu.memory_space<vmem>>
      tpu.wait_dma2 semaphore(%arg32 : memref<!tpu.dma_semaphore, #tpu.memory_space<semaphore_mem>>) src(%dma_wait3A_358 : memref<16xf32, #tpu.memory_space<vmem>>) dst(%dma_wait3A_356 : memref<16xf32, #tpu.memory_space<hbm>>)
      %dma_start3A_359 = arith.constant 624 : i32
      %dma_start3A_360 = tpu.memref_slice %arg29[%dma_start3A_359] : memref<640xf32, #tpu.memory_space<vmem>> -> memref<16xf32, #tpu.memory_space<vmem>>
      %dma_start3A_361 = tpu.memref_slice %arg11[%add3A_286] : memref<20000xf32, #tpu.memory_space<hbm>> -> memref<16xf32, #tpu.memory_space<hbm>>
      %dma_start3A_362 = tpu.memref_slice %arg11[%add3A_286] : memref<20000xf32, #tpu.memory_space<hbm>> -> memref<16xf32, #tpu.memory_space<hbm>>
      %dma_start3A_363 = arith.constant 624 : i32
      %dma_start3A_364 = tpu.memref_slice %arg29[%dma_start3A_363] : memref<640xf32, #tpu.memory_space<vmem>> -> memref<16xf32, #tpu.memory_space<vmem>>
      tpu.enqueue_dma source(%dma_start3A_364 : memref<16xf32, #tpu.memory_space<vmem>>) target(%dma_start3A_362 : memref<16xf32, #tpu.memory_space<hbm>>) target_semaphore(%arg32 : memref<!tpu.dma_semaphore, #tpu.memory_space<semaphore_mem>>)
      %dma_wait3A_365 = arith.constant 624 : i32
      %dma_wait3A_366 = tpu.memref_slice %arg29[%dma_wait3A_365] : memref<640xf32, #tpu.memory_space<vmem>> -> memref<16xf32, #tpu.memory_space<vmem>>
      %dma_wait3A_367 = tpu.memref_slice %arg11[%add3A_286] : memref<20000xf32, #tpu.memory_space<hbm>> -> memref<16xf32, #tpu.memory_space<hbm>>
      %dma_wait3A_368 = tpu.memref_slice %arg11[%add3A_286] : memref<20000xf32, #tpu.memory_space<hbm>> -> memref<16xf32, #tpu.memory_space<hbm>>
      %dma_wait3A_369 = arith.constant 624 : i32
      %dma_wait3A_370 = tpu.memref_slice %arg29[%dma_wait3A_369] : memref<640xf32, #tpu.memory_space<vmem>> -> memref<16xf32, #tpu.memory_space<vmem>>
      tpu.wait_dma2 semaphore(%arg32 : memref<!tpu.dma_semaphore, #tpu.memory_space<semaphore_mem>>) src(%dma_wait3A_370 : memref<16xf32, #tpu.memory_space<vmem>>) dst(%dma_wait3A_368 : memref<16xf32, #tpu.memory_space<hbm>>)
    } else {
    }
    %dma_wait3A_239 = arith.constant 0 : i32
    %dma_wait3A_240 = tpu.memref_slice %arg23[%dma_wait3A_239] : memref<640xf32, #tpu.memory_space<vmem>> -> memref<624xf32, #tpu.memory_space<vmem>>
    %dma_wait3A_241 = tpu.memref_slice %arg5[%mul3A_2] : memref<20000xf32, #tpu.memory_space<hbm>> -> memref<624xf32, #tpu.memory_space<hbm>>
    %dma_wait3A_242 = tpu.memref_slice %arg5[%mul3A_2] : memref<20000xf32, #tpu.memory_space<hbm>> -> memref<624xf32, #tpu.memory_space<hbm>>
    %dma_wait3A_243 = arith.constant 0 : i32
    %dma_wait3A_244 = tpu.memref_slice %arg23[%dma_wait3A_243] : memref<640xf32, #tpu.memory_space<vmem>> -> memref<624xf32, #tpu.memory_space<vmem>>
    tpu.wait_dma2 semaphore(%arg32 : memref<!tpu.dma_semaphore, #tpu.memory_space<semaphore_mem>>) src(%dma_wait3A_244 : memref<624xf32, #tpu.memory_space<vmem>>) dst(%dma_wait3A_242 : memref<624xf32, #tpu.memory_space<hbm>>)
    %dma_wait3A_245 = arith.constant 0 : i32
    %dma_wait3A_246 = tpu.memref_slice %arg24[%dma_wait3A_245] : memref<640xf32, #tpu.memory_space<vmem>> -> memref<624xf32, #tpu.memory_space<vmem>>
    %dma_wait3A_247 = tpu.memref_slice %arg6[%mul3A_2] : memref<20000xf32, #tpu.memory_space<hbm>> -> memref<624xf32, #tpu.memory_space<hbm>>
    %dma_wait3A_248 = tpu.memref_slice %arg6[%mul3A_2] : memref<20000xf32, #tpu.memory_space<hbm>> -> memref<624xf32, #tpu.memory_space<hbm>>
    %dma_wait3A_249 = arith.constant 0 : i32
    %dma_wait3A_250 = tpu.memref_slice %arg24[%dma_wait3A_249] : memref<640xf32, #tpu.memory_space<vmem>> -> memref<624xf32, #tpu.memory_space<vmem>>
    tpu.wait_dma2 semaphore(%arg32 : memref<!tpu.dma_semaphore, #tpu.memory_space<semaphore_mem>>) src(%dma_wait3A_250 : memref<624xf32, #tpu.memory_space<vmem>>) dst(%dma_wait3A_248 : memref<624xf32, #tpu.memory_space<hbm>>)
    %dma_wait3A_251 = arith.constant 0 : i32
    %dma_wait3A_252 = tpu.memref_slice %arg25[%dma_wait3A_251] : memref<640xf32, #tpu.memory_space<vmem>> -> memref<624xf32, #tpu.memory_space<vmem>>
    %dma_wait3A_253 = tpu.memref_slice %arg7[%mul3A_2] : memref<20000xf32, #tpu.memory_space<hbm>> -> memref<624xf32, #tpu.memory_space<hbm>>
    %dma_wait3A_254 = tpu.memref_slice %arg7[%mul3A_2] : memref<20000xf32, #tpu.memory_space<hbm>> -> memref<624xf32, #tpu.memory_space<hbm>>
    %dma_wait3A_255 = arith.constant 0 : i32
    %dma_wait3A_256 = tpu.memref_slice %arg25[%dma_wait3A_255] : memref<640xf32, #tpu.memory_space<vmem>> -> memref<624xf32, #tpu.memory_space<vmem>>
    tpu.wait_dma2 semaphore(%arg32 : memref<!tpu.dma_semaphore, #tpu.memory_space<semaphore_mem>>) src(%dma_wait3A_256 : memref<624xf32, #tpu.memory_space<vmem>>) dst(%dma_wait3A_254 : memref<624xf32, #tpu.memory_space<hbm>>)
    %dma_wait3A_257 = arith.constant 0 : i32
    %dma_wait3A_258 = tpu.memref_slice %arg26[%dma_wait3A_257] : memref<640xf32, #tpu.memory_space<vmem>> -> memref<624xf32, #tpu.memory_space<vmem>>
    %dma_wait3A_259 = tpu.memref_slice %arg8[%mul3A_2] : memref<20000xf32, #tpu.memory_space<hbm>> -> memref<624xf32, #tpu.memory_space<hbm>>
    %dma_wait3A_260 = tpu.memref_slice %arg8[%mul3A_2] : memref<20000xf32, #tpu.memory_space<hbm>> -> memref<624xf32, #tpu.memory_space<hbm>>
    %dma_wait3A_261 = arith.constant 0 : i32
    %dma_wait3A_262 = tpu.memref_slice %arg26[%dma_wait3A_261] : memref<640xf32, #tpu.memory_space<vmem>> -> memref<624xf32, #tpu.memory_space<vmem>>
    tpu.wait_dma2 semaphore(%arg32 : memref<!tpu.dma_semaphore, #tpu.memory_space<semaphore_mem>>) src(%dma_wait3A_262 : memref<624xf32, #tpu.memory_space<vmem>>) dst(%dma_wait3A_260 : memref<624xf32, #tpu.memory_space<hbm>>)
    %dma_wait3A_263 = arith.constant 0 : i32
    %dma_wait3A_264 = tpu.memref_slice %arg27[%dma_wait3A_263] : memref<640xf32, #tpu.memory_space<vmem>> -> memref<624xf32, #tpu.memory_space<vmem>>
    %dma_wait3A_265 = tpu.memref_slice %arg9[%mul3A_2] : memref<20000xf32, #tpu.memory_space<hbm>> -> memref<624xf32, #tpu.memory_space<hbm>>
    %dma_wait3A_266 = tpu.memref_slice %arg9[%mul3A_2] : memref<20000xf32, #tpu.memory_space<hbm>> -> memref<624xf32, #tpu.memory_space<hbm>>
    %dma_wait3A_267 = arith.constant 0 : i32
    %dma_wait3A_268 = tpu.memref_slice %arg27[%dma_wait3A_267] : memref<640xf32, #tpu.memory_space<vmem>> -> memref<624xf32, #tpu.memory_space<vmem>>
    tpu.wait_dma2 semaphore(%arg32 : memref<!tpu.dma_semaphore, #tpu.memory_space<semaphore_mem>>) src(%dma_wait3A_268 : memref<624xf32, #tpu.memory_space<vmem>>) dst(%dma_wait3A_266 : memref<624xf32, #tpu.memory_space<hbm>>)
    %dma_wait3A_269 = arith.constant 0 : i32
    %dma_wait3A_270 = tpu.memref_slice %arg28[%dma_wait3A_269] : memref<640xf32, #tpu.memory_space<vmem>> -> memref<624xf32, #tpu.memory_space<vmem>>
    %dma_wait3A_271 = tpu.memref_slice %arg10[%mul3A_2] : memref<20000xf32, #tpu.memory_space<hbm>> -> memref<624xf32, #tpu.memory_space<hbm>>
    %dma_wait3A_272 = tpu.memref_slice %arg10[%mul3A_2] : memref<20000xf32, #tpu.memory_space<hbm>> -> memref<624xf32, #tpu.memory_space<hbm>>
    %dma_wait3A_273 = arith.constant 0 : i32
    %dma_wait3A_274 = tpu.memref_slice %arg28[%dma_wait3A_273] : memref<640xf32, #tpu.memory_space<vmem>> -> memref<624xf32, #tpu.memory_space<vmem>>
    tpu.wait_dma2 semaphore(%arg32 : memref<!tpu.dma_semaphore, #tpu.memory_space<semaphore_mem>>) src(%dma_wait3A_274 : memref<624xf32, #tpu.memory_space<vmem>>) dst(%dma_wait3A_272 : memref<624xf32, #tpu.memory_space<hbm>>)
    %dma_wait3A_275 = arith.constant 0 : i32
    %dma_wait3A_276 = tpu.memref_slice %arg29[%dma_wait3A_275] : memref<640xf32, #tpu.memory_space<vmem>> -> memref<624xf32, #tpu.memory_space<vmem>>
    %dma_wait3A_277 = tpu.memref_slice %arg11[%mul3A_2] : memref<20000xf32, #tpu.memory_space<hbm>> -> memref<624xf32, #tpu.memory_space<hbm>>
    %dma_wait3A_278 = tpu.memref_slice %arg11[%mul3A_2] : memref<20000xf32, #tpu.memory_space<hbm>> -> memref<624xf32, #tpu.memory_space<hbm>>
    %dma_wait3A_279 = arith.constant 0 : i32
    %dma_wait3A_280 = tpu.memref_slice %arg29[%dma_wait3A_279] : memref<640xf32, #tpu.memory_space<vmem>> -> memref<624xf32, #tpu.memory_space<vmem>>
    tpu.wait_dma2 semaphore(%arg32 : memref<!tpu.dma_semaphore, #tpu.memory_space<semaphore_mem>>) src(%dma_wait3A_280 : memref<624xf32, #tpu.memory_space<vmem>>) dst(%dma_wait3A_278 : memref<624xf32, #tpu.memory_space<hbm>>)
    %dma_wait3A_281 = tpu.memref_slice %arg12[%mul3A_233] : memref<512xf32, #tpu.memory_space<hbm>> -> memref<16xf32, #tpu.memory_space<hbm>>
    %dma_wait3A_282 = tpu.memref_slice %arg12[%mul3A_233] : memref<512xf32, #tpu.memory_space<hbm>> -> memref<16xf32, #tpu.memory_space<hbm>>
    tpu.wait_dma2 semaphore(%arg32 : memref<!tpu.dma_semaphore, #tpu.memory_space<semaphore_mem>>) src(%arg31 : memref<16xf32, #tpu.memory_space<vmem>>) dst(%dma_wait3A_282 : memref<16xf32, #tpu.memory_space<hbm>>)
    return
  }
}

module attributes {stable_mosaic.version = 14 : i64} {
  func.func @_wout_body(%arg0: memref<20000xf32, #tpu.memory_space<vmem>>, %arg1: memref<512xf32, #tpu.memory_space<vmem>>, %arg2: memref<20000xf32, #tpu.memory_space<vmem>>) attributes {dimension_semantics = [], scalar_prefetch = 0 : i64, scratch_operands = 0 : i64, tpu.core_type = #tpu.core_type<tc>} {
    %get3A = arith.constant 0 : index
    %get3A_0 = vector.load %arg1[%get3A] : memref<512xf32, #tpu.memory_space<vmem>>, vector<512xf32>
    %reduce_sum3A = vector.shape_cast %get3A_0 : vector<512xf32> to vector<1x512xf32>
    %reduce_sum3A_1 = arith.constant dense<0.000000e+00> : vector<1xf32>
    %reduce_sum3A_2 = vector.multi_reduction <add>, %reduce_sum3A, %reduce_sum3A_1 [1] : vector<1x512xf32> to vector<1xf32>
    %reduce_sum3A_3 = vector.shape_cast %reduce_sum3A_2 : vector<1xf32> to vector<1x1xf32>
    %reduce_sum3A_4 = vector.extract %reduce_sum3A_3[0, 0] : f32 from vector<1x1xf32>
    %div3A = arith.constant 1.000000e+00 : f32
    %div3A_5 = arith.divf %div3A, %reduce_sum3A_4 : f32
    %get3A_6 = arith.constant 0 : index
    %get3A_7 = vector.load %arg0[%get3A_6] : memref<20000xf32, #tpu.memory_space<vmem>>, vector<20000xf32>
    %eq3A = arith.constant 2.000000e+00 : f32
    %eq3A_8 = vector.broadcast %eq3A : f32 to vector<20000xf32>
    %eq3A_9 = arith.cmpf oeq, %get3A_7, %eq3A_8 : vector<20000xf32>
    %eq3A_10 = arith.constant 1.000000e+00 : f32
    %eq3A_11 = vector.broadcast %eq3A_10 : f32 to vector<20000xf32>
    %eq3A_12 = arith.cmpf oeq, %get3A_7, %eq3A_11 : vector<20000xf32>
    %jit3A = arith.constant 1.000000e+00 : f32
    %jit3A_13 = arith.constant 0.000000e+00 : f32
    %broadcast_in_dim3A = vector.broadcast %jit3A : f32 to vector<20000xf32>
    %broadcast_in_dim3A_14 = vector.broadcast %jit3A_13 : f32 to vector<20000xf32>
    %select_n3A = arith.select %eq3A_12, %broadcast_in_dim3A, %broadcast_in_dim3A_14 : vector<20000xi1>, vector<20000xf32>
    %broadcast_in_dim3A_15 = vector.broadcast %div3A_5 : f32 to vector<20000xf32>
    %select_n3A_16 = arith.select %eq3A_9, %broadcast_in_dim3A_15, %select_n3A : vector<20000xi1>, vector<20000xf32>
    %swap3A = arith.constant 0 : index
    %swap3A_17 = vector.load %arg2[%swap3A] : memref<20000xf32, #tpu.memory_space<vmem>>, vector<20000xf32>
    tpu.vector_store %arg2[%swap3A], %select_n3A_16 {strides = array<i32>} : memref<20000xf32, #tpu.memory_space<vmem>>, vector<20000xf32>,
    return
  }
}

</mosaic_0001>

<sc_bundles>
// kernel: kernel.4.cloned.1.call-start
scs
__scs_entry_jumppad:
0x0: {  	(pc) =	sbr.rel $0x88, $3  }
0x1: {  	(tag) =	ssettag $0x0;
	lr =	simm.s32 $0x1  }
0x2: {  	[smem:$0x3F9E] =	sst lr;
	_ =	strace $0xD0000000  }
0x3: {  	_ = 	snop  }
0x4: {  	_ = 	snop  }
0x5: {  	_ = 	snop  }
0x6: {  	_ = 	snop  }
0x7: {  	_ = 	snop  }
__scs_overlays_trampoline_lowered:
0x8: {  	[smem:$0x3FAD] =	sst s0  }
0x9: {  	[smem:$0x3FAE] =	sst s1  }
0xa: {  	[smem:$0x3FAF] =	sst s2  }
0xb: {  	[smem:$0x3FB0] =	sst s3  }
0xc: {  	[smem:$0x3FB1] =	sst s4  }
0xd: {  	[smem:$0x3FB2] =	sst s5  }
0xe: {  	[smem:$0x3FB3] =	sst s6  }
0xf: {  	[smem:$0x3FB4] =	sst s7  }
0x10: {  	[smem:$0x3FB5] =	sst s8  }
0x11: {  	[smem:$0x3FB6] =	sst s9;
	s0 =	simm.s32 @!p0 $0x0  }
0x12: {  	s1 =	sld [smem:$0x3F9C];
	s0 =	simm.s32 @p0 $0x1  }
0x13: {  	[smem:$0x3FB7] =	sst s0;
	s0 =	simm.s32 @!p1 $0x0  }
0x14: {  	s2 =	sld [smem:$0x3F9B];
	s0 =	simm.s32 @p1 $0x1  }
0x15: {  	[smem:$0x3FB8] =	sst s0;
	s0 =	simm.s32 @!p2 $0x0  }
0x16: {  	s3 =	sld [smem:$0x3FDB];
	s0 =	simm.s32 @p2 $0x1  }
0x17: {  	s4 =	simm.s32 $0x1BF5;
	[smem:$0x3FBA] =	sst s0  }
0x18: {  	s0 =	sld [smem:$0x3F9D];
	_ =	swait.ge [sflag:s4], $0x0  }
0x19: {  	s7 =	sld [smem:$0x3F9E]  }
0x1a: {  	s8 =	sadd.s32 $0xFFFFE003, lr  }
0x1b: {  	s9 =	sadd.s32 $0xFFFFFEF7, lr;
	s5 =	simm.s32 $0xFFFFFFFF;
	p2 =	slt.u32 s8, $0xFFFFF086  }
0x1c: {  	p1 =	slt.u32 s9, $0xF7A;
	s5 =	simm.s32 @!p2 $0x0  }
0x1d: {  	s5 =	simm.s32 @p1 $0x1;
	p0 =	seq.s32 s7, s2  }
0x1e: {  	s7 =	smul.u32 @!p0 $0xF7A, s2;
	p2 =	seq.s32 @!p0 s5, $0x0  }
0x1f: {  	s9 =	smul.u32 $0xF7A, s1;
	s8 =	simm.s32 @!p0 $0x1BF5;
	p2 =	por !p2, p0  }
0x20: {  	[sflag:s8] =	ssyncset.s32 @!p0 $0xFFFFF086;
	s6 =	sadd.s32 @!p0 s3, s7;
	s7 =	simm.s32 @!p0 $0x108  }
0x21: {  	s3 =	sadd.s32 s3, s9;
	s6 =	sadd.s32 @!p0 $0x88, s6;
	s7 =	simm.s32 @p2 $0x1082  }
0x22: {  	[simem:s7], [sflag:s8] =	dma.local @!p0 [hbm:s6], $0xF7A  }
0x23: {  	s9 =	sor.u32 $0xD0000000, s2;
	s6 =	simm.s32 $0x108;
	_ =	swait.ge @!p0 [sflag:s8], $0x0  }
0x24: {  	s3 =	sadd.s32 $0x88, s3;
	s6 =	simm.s32 @!p1 $0x1082;
	[sflag:s4] =	ssyncset.s32 $0xFFFFF086  }
0x25: {  	[simem:s6], [sflag:s4] =	dma.local [hbm:s3], $0xF7A  }
0x26: {  	[smem:$0x3F9E] =	sst s1;
	(tag) =	ssettag s2;
	_ =	strace s9  }
0x27: {  	s1 =	sld [smem:$0x3FAE]  }
0x28: {  	s2 =	sld [smem:$0x3FAF]  }
0x29: {  	s4 =	sld [smem:$0x3FB1]  }
0x2a: {  	p0 =	seq.s32 s5, $0x0;
	s5 =	sld [smem:$0x3FB2]  }
0x2b: {  	s6 =	sld [smem:$0x3FB3]  }
0x2c: {  	s7 =	sld [smem:$0x3FB4]  }
0x2d: {  	s3 =	simm.s32 $0x108;
	s8 =	sld [smem:$0x3FB5]  }
0x2e: {  	s3 =	simm.s32 @!p0 $0x1082;
	s9 =	sld [smem:$0x3FB6]  }
0x2f: {  	lr =	sadd.s32 s0, s3;
	s0 =	sld [smem:$0x3FAD]  }
0x30: {  	s3 =	sld [smem:$0x3FB0]  }
0x31: {  	[smem:$0x3FB9] =	sst s10  }
0x32: {  	s10 =	sld [smem:$0x3FB7];
	_ =	sdelay $0x3  }
0x33: {  	p0 =	seq.s32 s10, $0x1;
	s10 =	sld [smem:$0x3FB9];
	_ =	sdelay $0x3  }
0x34: {  	[smem:$0x3FB9] =	sst s10  }
0x35: {  	s10 =	sld [smem:$0x3FB8];
	_ =	sdelay $0x3  }
0x36: {  	p1 =	seq.s32 s10, $0x1;
	s10 =	sld [smem:$0x3FB9];
	_ =	sdelay $0x3  }
0x37: {  	[smem:$0x3FB9] =	sst s10  }
0x38: {  	s10 =	sld [smem:$0x3FBA]  }
0x39: {  	_ = 	snop;
	(pc) =	sbr.ind lr, $3  }
0x3a: {  	_ = 	snop  }
0x3b: {  	_ = 	snop  }
0x3c: {  	p2 =	seq.s32 s10, $0x1;
	s10 =	sld [smem:$0x3FB9]  }
0x3d: {  	_ =	shalt  }
0x3e: {  	_ =	shalt  }
0x3f: {  	_ =	shalt  }
0x40: {  	_ =	shalt  }
0x41: {  	_ =	shalt  }
0x42: {  	_ =	shalt  }
0x43: {  	_ =	shalt  }
0x44: {  	_ =	shalt  }
0x45: {  	_ =	shalt  }
0x46: {  	_ =	shalt  }
0x47: {  	_ =	shalt  }
0x48: {  	_ =	shalt  }
0x49: {  	_ =	shalt  }
0x4a: {  	_ =	shalt  }
0x4b: {  	_ =	shalt  }
0x4c: {  	_ =	shalt  }
0x4d: {  	_ =	shalt  }
0x4e: {  	_ =	shalt  }
0x4f: {  	_ =	shalt  }
0x50: {  	_ =	shalt  }
0x51: {  	_ =	shalt  }
0x52: {  	_ =	shalt  }
0x53: {  	_ =	shalt  }
0x54: {  	_ =	shalt  }
0x55: {  	_ =	shalt  }
0x56: {  	_ =	shalt  }
0x57: {  	_ =	shalt  }
0x58: {  	_ =	shalt  }
0x59: {  	_ =	shalt  }
0x5a: {  	_ =	shalt  }
0x5b: {  	_ =	shalt  }
0x5c: {  	_ =	shalt  }
0x5d: {  	_ =	shalt  }
0x5e: {  	_ =	shalt  }
0x5f: {  	_ =	shalt  }
0x60: {  	_ =	shalt  }
0x61: {  	_ =	shalt  }
0x62: {  	_ =	shalt  }
0x63: {  	_ =	shalt  }
0x64: {  	_ =	shalt  }
0x65: {  	_ =	shalt  }
0x66: {  	_ =	shalt  }
0x67: {  	_ =	shalt  }
0x68: {  	_ =	shalt  }
0x69: {  	_ =	shalt  }
0x6a: {  	_ =	shalt  }
0x6b: {  	_ =	shalt  }
0x6c: {  	_ =	shalt  }
0x6d: {  	_ =	shalt  }
0x6e: {  	_ =	shalt  }
0x6f: {  	_ =	shalt  }
0x70: {  	_ =	shalt  }
0x71: {  	_ =	shalt  }
0x72: {  	_ =	shalt  }
0x73: {  	_ =	shalt  }
0x74: {  	_ =	shalt  }
0x75: {  	_ =	shalt  }
0x76: {  	_ =	shalt  }
0x77: {  	_ =	shalt  }
0x78: {  	_ =	shalt  }
0x79: {  	_ =	shalt  }
0x7a: {  	_ =	shalt  }
0x7b: {  	_ =	shalt  }
0x7c: {  	_ =	shalt  }
0x7d: {  	_ =	shalt  }
0x7e: {  	_ =	shalt  }
0x7f: {  	_ =	shalt  }
0x80: {  	_ =	shalt  }
0x81: {  	_ =	shalt  }
0x82: {  	_ =	shalt  }
0x83: {  	_ =	shalt  }
0x84: {  	_ =	shalt  }
0x85: {  	_ =	shalt  }
0x86: {  	_ =	shalt  }
0x87: {  	_ =	shalt  }
.Lfunc_end0:
.L_simem_size_0:
called_computation_lowered:
.L_overlay_start_0:
0x88: {  	s2 =	sld [smem:$0x3FD9]  }
0x89: {  	s3 =	sld [smem:$0x3FFE];
	_ =	sdelay $0x1  }
0x8a: {  	s1 =	srdreg.scid  }
0x8b: {  	s0 =	sand.u32 $0x1, s1  }
0x8c: {  	s14 =	sshll.u32 s0, $0xA;
	s2 =	sadd.s32 s3, s2  }
0x8d: {  	s2 =	sadd.s32 s2, s14  }
0x8e: {  	[smem:$0x3FC5] =	sst s2  }
0x8f: {  	_ = 	snop  }
0x90: {  	s2 =	sld [smem:$0x3FD0];
	_ =	sdelay $0x2  }
0x91: {  	s15 =	simm.s32 $0xA;
	s4 =	simm.s32 $0x10  }
0x92: {  	[smem:s4], [sflag:s15] =	dma.local [hbm:s2], $0x1  }
0x93: {  	_ =	swait.eq [sflag:s15], $0x1  }
0x94: {  	s16 =	sld [smem:$0x10]  }
0x95: {  	s17 =	sld [smem:$0x11];
	[sflag:s15] =	ssyncset.done $0x0  }
0x96: {  	s5 =	sld [smem:$0x12];
	[sflag:s15] =	ssyncadd.s32 $0xFFFFFFFF  }
0x97: {  	s18 =	sld [smem:$0x13];
	(tm) =	ssettm $0x1  }
0x98: {  	s6 =	sld [smem:$0x3FFB];
	_ =	sdelay $0x3  }
0x99: {  	_ =	strace s6  }
0x9a: {  	s6 =	sld [smem:$0x3FFC];
	_ =	sdelay $0x3  }
0x9b: {  	_ =	strace s6  }
0x9c: {  	s6 =	sld [smem:$0x3FFD];
	_ =	sdelay $0x3  }
0x9d: {  	_ =	strace s6  }
0x9e: {  	_ =	strace $0x8FFFFFFF  }
0x9f: {  	s19 =	sld [smem:$0x3FDB];
	_ =	sdelay $0x1  }
0xa0: {  	s7 =	simm.s32 $_scs_section_size  }
0xa1: {  	s8 =	simm.s32 $_size__tile_overlayer_lowered;
	s9 =	simm.s32 $_tile_overlayer_lowered  }
0xa2: {  	s22 =	simm.s32 $0x1BFF;
	s21 =	sshll.u32 s9, $0x1;
	s6 =	sadd.s32 s7, s19  }
0xa3: {  	s10 =	simm.s32 $0x0;
	s20 =	sshll.u32 s8, $0x1;
	s8 =	sadd.s32 s21, s6  }
0xa4: {  	[timem:s10], [sflag:s22] =	dma.local [hbm:s8], s20  }
0xa5: {  	_ =	swait.ge [sflag:s22], s20  }
0xa6: {  	s7 =	ssub.s32 $0x0, s20;
	[sflag:s22] =	ssyncset.done $0x0  }
0xa7: {  	[sflag:s22] =	ssyncadd.s32 s7;
	_ =	sdelay $0x1  }
0xa8: {  	s23 =	simm.s32 $0x1B8B  }
0xa9: {  	_ =	swait.ge [sflag:s23], $0x1  }
0xaa: {  	[sflag:s23] =	ssyncset.done $0x0  }
0xab: {  	s25 =	simm.s32 $0x1B8E;
	s24 =	sld [smem:$0x3FFE];
	[sflag:s23] =	ssyncadd.s32 $0xFFFFFFFF  }
0xac: {  	s26 =	simm.s32 $execute0_lowered;
	[smem:$0x3FD2] =	sst s25  }
0xad: {  	s8 =	sshll.u32 s26, $0x1;
	_ =	strace $0x80000046;
	[dreg:$0x1] =	wrdreg $0xFFFFFFFF  }
0xae: {  	s28 =	simm.s32 $_size_execute0_lowered;
	s6 =	sadd.s32 s6, s8;
	[dreg:$0x0] =	wrdreg $0x0  }
0xaf: {  	s8 =	sshll.u32 s28, $0x1;
	[dreg:$0x2] =	wrdreg s6  }
0xb0: {  	[dreg:$0x3] =	wrdreg s8  }
0xb1: {  	[dreg:$0x4] =	wrdreg $0xC0  }
0xb2: {  	_ =	task [dreg:s10], $0x5FFFF  }
0xb3: {  	[dreg:$0x1] =	wrdreg $0xFFFFFFFF  }
0xb4: {  	[dreg:$0x0] =	wrdreg $0x60  }
0xb5: {  	[dreg:$0x2] =	wrdreg s24  }
0xb6: {  	[dreg:$0x3] =	wrdreg s16  }
0xb7: {  	[dreg:$0x4] =	wrdreg s18  }
0xb8: {  	[dreg:$0x5] =	wrdreg s5  }
0xb9: {  	[dreg:$0x6] =	wrdreg s17  }
0xba: {  	[dreg:$0x7] =	wrdreg $0x9  }
0xbb: {  	_ =	task.clear_ibuf [dreg:s10], $0x8FFFF;
	_ =	strace $0x90000046  }
0xbc: {  	s29 =	simm.s32 $0x9;
	_ =	strace $0x80000048  }
0xbd: {  	_ =	swait.ge [sflag:s29], $0x1  }
0xbe: {  	[sflag:s29] =	ssyncadd.s32 $0xFFFFFFFF  }
0xbf: {  	_ =	strace $0x90000048  }
0xc0: {  	_ =	sfence  }
0xc1: {  	s30 =	sld [smem:$0x0];
	_ =	sdelay $0x2  }
0xc2: {  	s31 =	sshll.u32 s1, $0xD;
	s1 =	sshrl.u32 s1, $0x2  }
0xc3: {  	s3 =	sand.u32 $0x4000, s31;
	s1 =	sadd.s32 s1, s30  }
0xc4: {  	s0 =	sor.u32 s3, s0;
	s1 =	sshll.u32 s1, $0x11  }
0xc5: {  	s0 =	sor.u32 s1, s0  }
0xc6: {  	s0 =	sadd.s32 $0x8F2B, s0  }
0xc7: {  	[sflag:s0] =	ssyncadd.remote.s32 $0x1  }
0xc8: {  	_ =	sfence.sel $0xFFFF  }
0xc9: {  	[dreg:$0x0] =	wrdreg $0xFFFFFFFF;
	(pc) =	sbr.abs _section_cstart, $3  }
0xca: {  	[dreg:$0x1] =	wrdreg $0xFFFFFFFF  }
0xcb: {  	_ =	task.clear_ibuf [dreg:s10], $0x2FFFF;
	_ =	strace $0x9FFFFFFF  }
0xcc: {  	(tm) =	ssettm $0x7FFFFFFF  }
0xcd: {  	_ =	shalt  }
tec
execute0_lowered:
.L_overlay_start_1:
0x0: {  	(tag) =	ssettag $0x1  }
0x1: {  	s0 =	rddreg [dreg:$0x0]  }
0x2: {  	s2 =	rddreg [dreg:$0x1]  }
0x3: {  	s3 =	rddreg [dreg:$0x2]  }
0x4: {  	s5 =	rddreg [dreg:$0x3]  }
0x5: {  	s6 =	rddreg [dreg:$0x4]  }
0x6: {  	s1 =	simm.s32 $0x0;
	s4 =	srdreg.scid;
	s8 =	stileid.u32  }
0x7: {  	s30 =	simm.s32 $0x1;
	s31 =	simm.s32 $0xB00;
	s29 =	simm.s32 $0xC80  }
0x8: {  	[smem:$0x7FF] =	sst s1;
	s7 =	sadd.s32 $0x1C00, s0;
	s9 =	sadd.s32 $0x1800, s0  }
0x9: {  	s4 =	sand.u32 $0x1, s4;
	s24 =	sshll.u32 s8, $0x1;
	s10 =	sadd.s32 $0x1A00, s0  }
0xa: {  	s11 =	sadd.s32 $0x5A00, s0;
	_ =	strace $0x80000047;
	[dreg:$0x6] =	wrdreg s9  }
0xb: {  	s13 =	sadd.s32 $0x4E00, s0;
	[dreg:$0x7] =	wrdreg s10;
	s10 =	sadd.s32 $0x4400, s0  }
0xc: {  	s9 =	sor.u32 s4, s24;
	s25 =	ssub.s32 $0x2, s4;
	s15 =	sshll.u32 s4, $0x1  }
0xd: {  	s12 =	sshll.u32 s9, $0x1;
	s9 =	smul.u32 $0x270, s9;
	s23 =	sor.u32 $0x9C0, s15  }
0xe: {  	s14 =	sshrl.u32 s25, $0x1;
	s0 =	sadd.s32 s12, s0;
	s24 =	sadd.s32 s3, s23  }
0xf: {  	s12 =	ssub.s32 s25, s14;
	s25 =	sadd.s32 s5, s23;
	[dreg:$0x12] =	wrdreg s24  }
0x10: {  	p0 =	sne.s32 s8, $0x0;
	s9 =	sshrl.u32 s9, $0x3;
	[dreg:$0x13] =	wrdreg s25  }
0x11: {  	s24 =	sadd.s32 $0x5800, s0;
	s25 =	smax.u32 s12, $0x1;
	s17 =	sadd.s32 s2, s9  }
0x12: {  	s0 =	simm.s32 $0xA00;
	s18 =	sadd.s32 s3, s9;
	[dreg:$0xa] =	wrdreg s17  }
0x13: {  	s4 =	sadd.s32 s7, s9;
	s19 =	sadd.s32 s5, s9;
	[dreg:$0xb] =	wrdreg s18  }
0x14: {  	s7 =	sadd.s32 s15, s7;
	s20 =	sadd.s32 s6, s9;
	[dreg:$0xc] =	wrdreg s19  }
0x15: {  	s21 =	sadd.s32 s10, s9;
	s22 =	sadd.s32 s11, s9;
	[dreg:$0xd] =	wrdreg s20  }
0x16: {  	s9 =	sadd.s32 s13, s9;
	s2 =	sadd.s32 s2, s23;
	[dreg:$0xe] =	wrdreg s21  }
0x17: {  	s3 =	simm.s32 $0xB80;
	s5 =	simm.s32 $0xC00;
	[dreg:$0xf] =	wrdreg s22  }
0x18: {  	s26 =	sadd.s32 $0x9C4, s4;
	s16 =	sadd.s32 $0x9C0, s7;
	[dreg:$0x10] =	wrdreg s9  }
0x19: {  	[dreg:$0x11] =	wrdreg s2;
	s18 =	sadd.s32 s10, s23;
	s19 =	sadd.s32 s11, s23  }
0x1a: {  	s20 =	sadd.s32 s13, s23;
	s21 =	sadd.s32 $0x1384, s7;
	s22 =	sadd.s32 $0x1D48, s7  }
0x1b: {  	s28 =	sadd.s32 $0x1D4C, s4;
	s2 =	simm.s32 $0xD00;
	[dreg:$0x8] =	wrdreg s26  }
0x1c: {  	v0 =	vimm.f32 $0.0e+00;
	[dreg:$0x9] =	wrdreg s16;
	s26 =	sadd.s32 s6, s23;
	s23 =	sadd.s32 $0x270C, s7  }
0x1d: {  	v1 =	vimm.f32 $-1.000000000e+00;
	v2 =	vimm.f32 $1.000000000e+00;
	v3 =	vimm.s32 $0x0;
	s6 =	simm.s32 $0x0;
	[dreg:$0x14] =	wrdreg s26;
	s26 =	sadd.s32 $0x1388, s4  }
.LBB2_1:
0x1e: {  	[tilespmem:s1], [sflag:$0x1] =	stream.linear.gather [hbm4b:s4+s1], $0x270, $0x38;
	[tilespmem:$0x2000] =	vst v63  }
0x1f: {  	s7 =	rddreg [dreg:$0x8];
	s8 =	simm.s32 $0x280  }
0x20: {  	[tilespmem:s8], [sflag:$0x1] =	stream.linear.gather [hbm4b:s7+s1], $0x270, $0x38;
	[tilespmem:$0x2000] =	vst v63  }
0x21: {  	s13 =	simm.s32 $0x500  }
0x22: {  	[tilespmem:s13], [sflag:$0x1] =	stream.linear.gather [hbm4b:s26+s1], $0x270, $0x38;
	[tilespmem:$0x2000] =	vst v63  }
0x23: {  	s14 =	simm.s32 $0x780  }
0x24: {  	[tilespmem:s14], [sflag:$0x1] =	stream.linear.gather [hbm4b:s28+s1], $0x270, $0x38;
	[tilespmem:$0x2000] =	vst v63  }
0x25: {  	s15 =	rddreg [dreg:$0x6]  }
0x26: {  	[tilespmem:s0], [sflag:$0x1] =	stream.linear.gather [hbm4b:s15+s1], $0x100, $0x38;
	[tilespmem:$0x2000] =	vst v63  }
0x27: {  	s16 =	rddreg [dreg:$0x7];
	s17 =	simm.s32 $0x1F00  }
0x28: {  	[tilespmem:s17], [sflag:$0x1] =	stream.linear.gather [hbm4b:s16+s1], $0x80, $0x38;
	[tilespmem:$0x2000] =	vst v63  }
0x29: {  	s9 =	rddreg [dreg:$0x9];
	s7 =	simm.s32 @!p0 $0x0;
	s8 =	simm.s32 @!p0 $0x270  }
0x2a: {  	[tilespmem:s8], [sflag:$0x1] =	stream.linear.gather @!p0 [hbm4b:s9+s7], $0x10, $0x38;
	[tilespmem:$0x2000] =	vst v63  }
0x2b: {  	s8 =	simm.s32 @!p0 $0x1  }
0x2c: {  	_ =	swait.ge @!p0 [sflag:s8], $0x10  }
0x2d: {  	[sflag:s8] =	ssyncset.done @!p0 $0x0  }
0x2e: {  	s9 =	simm.s32 @!p0 $0x4F0;
	[sflag:s8] =	ssyncadd.s32 @!p0 $0xFFFFFFF0  }
0x2f: {  	[tilespmem:s9], [sflag:$0x1] =	stream.linear.gather @!p0 [hbm4b:s21+s7], $0x10, $0x38;
	[tilespmem:$0x2000] =	vst v63  }
0x30: {  	_ =	swait.ge @!p0 [sflag:s8], $0x10  }
0x31: {  	[sflag:s8] =	ssyncset.done @!p0 $0x0  }
0x32: {  	s9 =	simm.s32 @!p0 $0x770;
	[sflag:s8] =	ssyncadd.s32 @!p0 $0xFFFFFFF0  }
0x33: {  	[tilespmem:s9], [sflag:$0x1] =	stream.linear.gather @!p0 [hbm4b:s22+s7], $0x10, $0x38;
	[tilespmem:$0x2000] =	vst v63  }
0x34: {  	_ =	swait.ge @!p0 [sflag:s8], $0x10  }
0x35: {  	[sflag:s8] =	ssyncset.done @!p0 $0x0  }
0x36: {  	s9 =	simm.s32 @!p0 $0x9F0;
	[sflag:s8] =	ssyncadd.s32 @!p0 $0xFFFFFFF0  }
0x37: {  	[tilespmem:s9], [sflag:$0x1] =	stream.linear.gather @!p0 [hbm4b:s23+s7], $0x10, $0x38;
	[tilespmem:$0x2000] =	vst v63  }
0x38: {  	_ =	swait.ge @!p0 [sflag:s8], $0x10  }
0x39: {  	[sflag:s8] =	ssyncset.done @!p0 $0x0  }
0x3a: {  	[sflag:s8] =	ssyncadd.s32 @!p0 $0xFFFFFFF0  }
0x3b: {  	_ =	swait.ge [sflag:s30], $0x270  }
0x3c: {  	[sflag:s30] =	ssyncset.done $0x0  }
0x3d: {  	[sflag:s30] =	ssyncadd.s32 $0xFFFFFD90  }
0x3e: {  	_ =	swait.ge [sflag:s30], $0x270  }
0x3f: {  	[sflag:s30] =	ssyncset.done $0x0  }
0x40: {  	[sflag:s30] =	ssyncadd.s32 $0xFFFFFD90  }
0x41: {  	_ =	swait.ge [sflag:s30], $0x270  }
0x42: {  	[sflag:s30] =	ssyncset.done $0x0  }
0x43: {  	[sflag:s30] =	ssyncadd.s32 $0xFFFFFD90  }
0x44: {  	_ =	swait.ge [sflag:s30], $0x270  }
0x45: {  	[sflag:s30] =	ssyncset.done $0x0  }
0x46: {  	[sflag:s30] =	ssyncadd.s32 $0xFFFFFD90  }
0x47: {  	_ =	swait.ge [sflag:s30], $0x100  }
0x48: {  	[sflag:s30] =	ssyncset.done $0x0  }
0x49: {  	[sflag:s30] =	ssyncadd.s32 $0xFFFFFF00  }
0x4a: {  	_ =	swait.ge [sflag:s30], $0x80  }
0x4b: {  	[sflag:s30] =	ssyncset.done $0x0  }
0x4c: {  	[sflag:s30] =	ssyncadd.s32 $0xFFFFFF80  }
0x4d: {  	v4 =	vld [tilespmem:$0xA00]  }
0x4e: {  	v5 =	vld [tilespmem:$0xA40]  }
0x4f: {  	v6 =	vld [tilespmem:$0xA80]  }
0x50: {  	v7 =	vld [tilespmem:$0xAC0]  }
0x51: {  	v8 =	vld [tilespmem:$0xA10]  }
0x52: {  	v9 =	vld [tilespmem:$0xA50]  }
0x53: {  	v11 =	vld [tilespmem:$0xAD0]  }
0x54: {  	v10 =	vld [tilespmem:$0xA90]  }
0x55: {  	v6 =	vsub.f32 v6, v4  }
0x56: {  	v14 =	vld [tilespmem:$0xA20];
	v7 =	vsub.f32 v7, v5  }
0x57: {  	v15 =	vld [tilespmem:$0xA60];
	v13 =	vmul.f32 $5.000000000e-01, v6  }
0x58: {  	v60 =	vld [tilespmem:$0xAE0];
	v59 =	vsub.f32 v11, v9;
	v57 =	vmul.f32 $5.000000000e-01, v7;
	[tilespmem:$0xB80] =	vst v6  }
0x59: {  	v58 =	vld [tilespmem:$0xAA0];
	v12 =	vmul.f32 v7, v6;
	v6 =	vsub.f32 v10, v8;
	[tilespmem:$0xC00] =	vst v7;
	v4 =	vadd.f32 v13, v4  }
0x5a: {  	[tilespmem:$0xC10] =	vst v59;
	v5 =	vadd.f32 v57, v5  }
0x5b: {  	v61 =	vld [tilespmem:$0xA30];
	v7 =	vmul.f32 $5.000000000e-01, v6;
	[tilespmem:$0xC80] =	vst v4;
	v4 =	vmul.f32 v59, v6  }
0x5c: {  	v62 =	vld [tilespmem:$0xAF0];
	[tilespmem:$0xD00] =	vst v5  }
0x5d: {  	v11 =	vsub.f32 v60, v15;
	v5 =	vld [tilespmem:$0xA70];
	[tilespmem:$0xB10] =	vst v4;
	v4 =	vadd.f32 v7, v8;
	v7 =	vmul.f32 $5.000000000e-01, v59  }
0x5e: {  	[tilespmem:$0xB90] =	vst v6;
	v6 =	vsub.f32 v58, v14;
	v8 =	vld [tilespmem:$0xAB0]  }
0x5f: {  	[tilespmem:$0xC20] =	vst v11;
	v7 =	vadd.f32 v7, v9  }
0x60: {  	v63 =	vmul.f32 $5.000000000e-01, v6;
	[tilespmem:$0xC90] =	vst v4;
	v4 =	vmul.f32 v11, v6  }
0x61: {  	[tilespmem:$0xD10] =	vst v7  }
0x62: {  	[tilespmem:$0xB20] =	vst v4;
	v4 =	vadd.f32 v63, v14;
	v7 =	vmul.f32 $5.000000000e-01, v11  }
0x63: {  	[tilespmem:$0xBA0] =	vst v6;
	v6 =	vsub.f32 v8, v61;
	v8 =	vsub.f32 v62, v5  }
0x64: {  	[tilespmem:$0xB00] =	vst v12;
	v7 =	vadd.f32 v7, v15  }
0x65: {  	[tilespmem:$0xCA0] =	vst v4;
	v4 =	vmul.f32 v8, v6  }
0x66: {  	[tilespmem:$0xD20] =	vst v7;
	v7 =	vmul.f32 $5.000000000e-01, v6  }
0x67: {  	[tilespmem:$0xB30] =	vst v4;
	v4 =	vmul.f32 $5.000000000e-01, v8  }
0x68: {  	[tilespmem:$0xBB0] =	vst v6;
	v6 =	vadd.f32 v7, v61  }
0x69: {  	[tilespmem:$0xC30] =	vst v8;
	v5 =	vadd.f32 v4, v5  }
0x6a: {  	s7 =	simm.s32 @!p0 $0x28;
	v4 =	vld [tilespmem:$0x1F00];
	[tilespmem:$0xCB0] =	vst v6  }
0x6b: {  	s7 =	simm.s32 @p0 $0x27;
	s8 =	simm.s32 $0x0;
	v6 =	vld [tilespmem:$0x1F10];
	[tilespmem:$0xD30] =	vst v5;
	v5 =	vimm.f32 $0.0e+00  }
.LBB2_2:
0x6c: {  	s11 =	simm.s32 $0x2  }
0x6d: {  	s10 =	simm.s32 $0x1;
	s9 =	sshll.u32 s8, $0x4;
	v13 =	vmov s11  }
0x6e: {  	v9 =	vmov s10;
	v8 =	vld [tilespmem:s9+$0x0]  }
0x6f: {  	v7 =	vld [tilespmem:s9+$0x280]  }
0x70: {  	v12 =	vld [tilespmem:s9+$0x500];
	v10 =	vor.u32 $0x40, v9  }
0x71: {  	v11 =	vld [tilespmem:s9+$0x780];
	v14 =	vor.u32 $0x80, v9  }
0x72: {  	v15 =	vor.u32 $0xC0, v9;
	v16 =	vld.idx.msk [tilespmem:v13+s0+$0x0], $0xffff  }
0x73: {  	s11 =	simm.s32 $0x3;
	v18 =	vor.u32 $0xC0, v13;
	v20 =	vld.idx.msk [tilespmem:v9+s0+$0x0], $0xffff  }
0x74: {  	v22 =	vmov s11;
	v23 =	vld.idx.msk [tilespmem:v9+s31+$0x0], $0xffff  }
0x75: {  	v25 =	vor.u32 $0xC0, v22;
	v19 =	vld.idx.msk [tilespmem:v10+s0+$0x0], $0xffff  }
0x76: {  	v27 =	vor.u32 $0x40, v22;
	v21 =	vld.idx.msk [tilespmem:v14+s0+$0x0], $0xffff  }
0x77: {  	v17 =	vor.u32 $0x40, v13;
	v24 =	vld.idx.msk [tilespmem:v15+s0+$0x0], $0xffff  }
0x78: {  	v10 =	vor.u32 $0x80, v13;
	v29 =	vld.idx.msk [tilespmem:v18+s0+$0x0], $0xffff  }
0x79: {  	s12 =	simm.s32 $0x0;
	v14 =	vor.u32 $0x80, v22;
	v30 =	vld.idx.msk [tilespmem:v22+s0+$0x0], $0xffff  }
0x7a: {  	v9 =	vsub.f32 v11, v7;
	v18 =	vmov s12;
	s12 =	simm.s32 $0x5;
	v25 =	vld.idx.msk [tilespmem:v25+s0+$0x0], $0xffff  }
0x7b: {  	v15 =	vimm.s32 $0x0;
	v32 =	vor.u32 $0x40, v18;
	v27 =	vld.idx.msk [tilespmem:v27+s0+$0x0], $0xffff;
	v36 =	vmov s12  }
0x7c: {  	v26 =	vld.idx.msk [tilespmem:v17+s0+$0x0], $0xffff;
	v33 =	vor.u32 $0x80, v18;
	v34 =	vor.u32 $0xC0, v18;
	v52 =	vor.u32 $0xC0, v36  }
0x7d: {  	v20 =	vmax.f32 v8, v20;
	v35 =	vmax.f32 v8, v16;
	v28 =	vld.idx.msk [tilespmem:v10+s0+$0x0], $0xffff;
	v10 =	vsub.f32 v12, v8  }
0x7e: {  	v31 =	vld.idx.msk [tilespmem:v14+s0+$0x0], $0xffff;
	v21 =	vmin.f32 v12, v21;
	v19 =	vmax.f32 v7, v19;
	v24 =	vmin.f32 v11, v24  }
0x7f: {  	v30 =	vmax.f32 v8, v30;
	v20 =	vsub.f32 v21, v20;
	v21 =	vld.idx.msk [tilespmem:v13+s31+$0x0], $0xffff;
	v16 =	vsub.f32 v24, v19  }
0x80: {  	v24 =	vld.idx.msk [tilespmem:v18+s0+$0x0], $0xffff;
	v25 =	vmin.f32 v11, v25;
	v27 =	vmax.f32 v7, v27;
	v17 =	vmul.f32 v9, v10  }
0x81: {  	s13 =	simm.s32 $0x6;
	v26 =	vmax.f32 v7, v26;
	v33 =	vld.idx.msk [tilespmem:v33+s0+$0x0], $0xffff;
	v25 =	vsub.f32 v25, v27;
	v19 =	vmax.f32 v20, $0.0e+00  }
0x82: {  	v34 =	vld.idx.msk [tilespmem:v34+s0+$0x0], $0xffff;
	v49 =	vmax.f32 v16, $0.0e+00;
	v16 =	vmov s13;
	v23 =	vadd.f32 v23, v17  }
0x83: {  	v20 =	vmin.f32 v12, v28;
	v28 =	vmin.f32 v11, v29;
	v29 =	vld.idx.msk [tilespmem:v32+s0+$0x0], $0xffff;
	v31 =	vmin.f32 v12, v31  }
0x84: {  	v19 =	vmul.f32 v49, v19;
	v30 =	vsub.f32 v31, v30;
	v31 =	vor.u32 $0x40, v36  }
0x85: {  	v27 =	vld.idx.msk [tilespmem:v18+s31+$0x0], $0xffff;
	v37 =	vor.u32 $0x40, v16;
	v26 =	vsub.f32 v28, v26;
	v28 =	vor.u32 $0x80, v36  }
0x86: {  	v38 =	vld.idx.msk [tilespmem:v36+s0+$0x0], $0xffff;
	v25 =	vmax.f32 v25, $0.0e+00;
	v54 =	vor.u32 $0x80, v16;
	v39 =	vor.u32 $0xC0, v16  }
0x87: {  	v20 =	vsub.f32 v20, v35;
	v50 =	vadd.f32 v21, v17;
	v21 =	vmax.f32 v8, v24;
	v36 =	vld.idx.msk [tilespmem:v36+s31+$0x0], $0xffff  }
0x88: {  	s13 =	simm.s32 $0x7;
	v51 =	vmin.f32 v11, v34;
	v24 =	vmax.f32 v7, v29;
	v29 =	vld.idx.msk [tilespmem:v22+s31+$0x0], $0xffff;
	v22 =	vmin.f32 v12, v33  }
0x89: {  	v24 =	vsub.f32 v51, v24;
	v31 =	vld.idx.msk [tilespmem:v31+s0+$0x0], $0xffff;
	v21 =	vsub.f32 v22, v21;
	v22 =	vmov s13  }
0x8a: {  	v27 =	vadd.f32 v27, v17;
	v30 =	vmax.f32 v30, $0.0e+00;
	v28 =	vld.idx.msk [tilespmem:v28+s0+$0x0], $0xffff;
	v40 =	vor.u32 $0x80, v22  }
0x8b: {  	v34 =	vld.idx.msk [tilespmem:v52+s0+$0x0], $0xffff;
	v20 =	vmax.f32 v20, $0.0e+00;
	v24 =	vmax.f32 v24, $0.0e+00;
	v21 =	vmax.f32 v21, $0.0e+00  }
0x8c: {  	v53 =	vld.idx.msk [tilespmem:v16+s0+$0x0], $0xffff;
	v41 =	vor.u32 $0xC0, v22;
	v21 =	vmul.f32 v24, v21;
	v24 =	vsub.f32 v23, v19  }
0x8d: {  	v33 =	vld.idx.msk [tilespmem:v54+s0+$0x0], $0xffff;
	v23 =	vmul.f32 v25, v30;
	v25 =	vor.u32 $0x40, v22;
	v29 =	vadd.f32 v29, v17  }
0x8e: {  	v27 =	vsub.f32 v27, v21;
	(erf) = vrcp.f32 v24;
	v24 =	vmax.f32 v26, $0.0e+00;
	v26 =	vld.idx.msk [tilespmem:v39+s0+$0x0], $0xffff  }
0x8f: {  	s14 =	simm.s32 $0x4;
	v28 =	vmin.f32 v12, v28;
	v30 =	vmax.f32 v7, v31;
	v29 =	vsub.f32 v29, v23;
	v56 =	vld.idx.msk [tilespmem:v40+s0+$0x0], $0xffff  }
0x90: {  	v55 =	vld.idx.msk [tilespmem:v22+s0+$0x0], $0xffff;
	v24 =	vmul.f32 v24, v20;
	v20 =	vmov s14;
	(erf) = vrcp.f32 v27  }
0x91: {  	v31 =	vmin.f32 v11, v34;
	v57 =	vld.idx.msk [tilespmem:v41+s0+$0x0], $0xffff;
	v27 =	vmax.f32 v8, v38;
	v59 =	vor.u32 $0x40, v20  }
0x92: {  	v27 =	vsub.f32 v28, v27;
	v28 =	vld.idx.msk [tilespmem:v25+s0+$0x0], $0xffff;
	v25 =	vsub.f32 v31, v30;
	(erf) = vrcp.f32 v29  }
0x93: {  	v14 =	vimm.f32 $-1.000000000e+00;
	v37 =	vld.idx.msk [tilespmem:v37+s0+$0x0], $0xffff;
	v60 =	vor.u32 $0x80, v20;
	v42 =	vor.u32 $0xC0, v20  }
0x94: {  	v44 =	vmin.f32 v11, v26;
	v26 =	vmax.f32 v25, $0.0e+00;
	v25 =	vmin.f32 v12, v56  }
0x95: {  	v58 =	vsub.f32 v50, v24;
	v29 =	vadd.f32 v36, v17;
	v30 =	vld.idx.msk [tilespmem:v16+s31+$0x0], $0xffff;
	v43 =	vmax.f32 v27, $0.0e+00  }
0x96: {  	v27 =	vmin.f32 v12, v33;
	v61 =	vmax.f32 v8, v55;
	v31 =	vld.idx.msk [tilespmem:v20+s0+$0x0], $0xffff;
	v63 =	vmin.f32 v11, v57  }
0x97: {  	v32 =	vld.idx.msk [tilespmem:v59+s0+$0x0], $0xffff;
	v36 =	vsub.f32 v25, v61;
	v28 =	vmax.f32 v7, v28;
	v25 =	vpop (erf);
	(erf) = vrcp.f32 v58  }
0x98: {  	v35 =	vmax.f32 v8, v53;
	v62 =	vmax.f32 v7, v37;
	v34 =	vld.idx.msk [tilespmem:v60+s0+$0x0], $0xffff;
	v37 =	vsub.f32 v63, v28  }
0x99: {  	s14 =	simm.s32 $0x8;
	v33 =	vsub.f32 v27, v35;
	v26 =	vmul.f32 v26, v43;
	v35 =	vld.idx.msk [tilespmem:v42+s0+$0x0], $0xffff;
	v28 =	vsub.f32 v44, v62;
	v27 =	vpop (erf)  }
.LBB2_3:
0x9a: {  	s17 =	sadd.s32 $0x1, s14;
	s15 =	sadd.s32 $0x2, s14;
	s16 =	sadd.s32 $0x3, s14;
	v30 =	vadd.f32 v30, v17;
	v36 =	vmax.f32 v36, $0.0e+00;
	v37 =	vmax.f32 v37, $0.0e+00  }
0x9b: {  	p1 =	sne.s32 s14, $0x3C;
	v38 =	vmov s17;
	v39 =	vmov s15;
	v40 =	vld.idx.msk [tilespmem:v20+s31+$0x0], $0xffff;
	v29 =	vsub.f32 v29, v26;
	v41 =	vpop (erf);
	s15 =	smov.u32 s14;
	s14 =	sadd.s32 $0x4, s14  }
0x9c: {  	v42 =	vor.u32 $0x40, v38;
	v43 =	vor.u32 $0x80, v38;
	v41 =	vmul.f32 v41, v23  }
0x9d: {  	v23 =	vmax.f32 v8, v31;
	v31 =	vmax.f32 v7, v32;
	v32 =	vld.idx.msk [tilespmem:v22+s31+$0x0], $0xffff;
	(erf) = vrcp.f32 v29  }
0x9e: {  	v33 =	vmax.f32 v33, $0.0e+00;
	v22 =	vmin.f32 v12, v34;
	v29 =	vmin.f32 v11, v35  }
0x9f: {  	v34 =	vor.u32 $0xC0, v38;
	v35 =	vor.u32 $0x40, v39;
	v29 =	vsub.f32 v29, v31  }
0xa0: {  	v27 =	vmul.f32 v27, v21;
	v44 =	vor.u32 $0x80, v39;
	v45 =	vor.u32 $0xC0, v39;
	v31 =	vld.idx.msk [tilespmem:v39+s0+$0x0], $0xffff;
	v21 =	vpop (erf)  }
0xa1: {  	v46 =	vmul.f32 v25, v19;
	v23 =	vsub.f32 v22, v23;
	v40 =	vadd.f32 v40, v17;
	v42 =	vld.idx.msk [tilespmem:v42+s0+$0x0], $0xffff  }
0xa2: {  	v19 =	vmovc v26;
	v22 =	vmov s16;
	v25 =	vmax.f32 v29, $0.0e+00;
	v24 =	vmul.f32 v21, v24;
	v47 =	vld.idx.msk [tilespmem:v38+s0+$0x0], $0xffff  }
0xa3: {  	vm0 =	vgt.f32 v46, v27;
	v21 =	vmax.f32 v23, $0.0e+00;
	v29 =	vadd.f32 v32, v17;
	v26 =	vld.idx.msk [tilespmem:v43+s0+$0x0], $0xffff  }
0xa4: {  	v21 =	vmul.f32 v25, v21;
	vm1 =	vgt.f32 v41, v24;
	v32 =	vld.idx.msk [tilespmem:v38+s31+$0x0], $0xffff;
	v38 =	vor.u32 $0x40, v22  }
0xa5: {  	v28 =	vmax.f32 v28, $0.0e+00;
	v48 =	vor.u32 $0xC0, v22;
	v43 =	vor.u32 $0x80, v22;
	v34 =	vld.idx.msk [tilespmem:v34+s0+$0x0], $0xffff  }
0xa6: {  	v23 =	vmul.f32 v37, v36;
	v36 =	vsel vm0, s10, v18;
	s10 =	smov.u32 s12;
	s12 =	smov.u32 s17;
	v40 =	vsub.f32 v40, v21;
	v35 =	vld.idx.msk [tilespmem:v35+s0+$0x0], $0xffff;
	v25 =	vpop (erf)  }
0xa7: {  	v18 =	vsel vm0, v46, v27;
	v27 =	vsel vm1, v41, v24;
	v41 =	vsel vm1, s11, v13;
	v13 =	vmovc v16;
	s11 =	smov.u32 s13;
	s13 =	smov.u32 s16;
	v37 =	vld.idx.msk [tilespmem:v44+s0+$0x0], $0xffff  }
0xa8: {  	v29 =	vsub.f32 v29, v23;
	v16 =	vmovc v39;
	vm0 =	vgt.f32 v27, v18;
	v44 =	vld.idx.msk [tilespmem:v45+s0+$0x0], $0xffff;
	(erf) = vrcp.f32 v40  }
0xa9: {  	v24 =	vmul.f32 v28, v33;
	v39 =	vmax.f32 v8, v47;
	v40 =	vmax.f32 v8, v31;
	v45 =	vld.idx.msk [tilespmem:v22+s0+$0x0], $0xffff  }
0xaa: {  	v28 =	vmax.f32 v7, v42;
	v27 =	vsel vm0, v27, v18;
	v26 =	vmin.f32 v12, v26;
	v33 =	vld.idx.msk [tilespmem:v43+s0+$0x0], $0xffff  }
0xab: {  	v42 =	vsub.f32 v30, v24;
	v18 =	vmovc v20;
	v20 =	vmov s15;
	v31 =	vmin.f32 v11, v34;
	v34 =	vld.idx.msk [tilespmem:v48+s0+$0x0], $0xffff  }
0xac: {  	v46 =	vor.u32 $0x80, v20;
	v26 =	vsub.f32 v26, v39;
	v43 =	vor.u32 $0x40, v20;
	v38 =	vld.idx.msk [tilespmem:v38+s0+$0x0], $0xffff  }
0xad: {  	vm1 =	vgt.f32 v27, v14;
	v28 =	vsub.f32 v31, v28;
	(erf) = vrcp.f32 v29  }
0xae: {  	v14 =	vsel vm1, v27, v14;
	v39 =	vor.u32 $0xC0, v20;
	v29 =	vadd.f32 v32, v17  }
0xaf: {  	v26 =	vmax.f32 v26, $0.0e+00;
	v37 =	vmin.f32 v12, v37;
	v44 =	vmin.f32 v11, v44;
	v30 =	vld.idx.msk [tilespmem:v16+s31+$0x0], $0xffff  }
.Ltmp0:
0xb0: {  	v28 =	vmax.f32 v28, $0.0e+00;
	v45 =	vmax.f32 v8, v45;
	v33 =	vmin.f32 v12, v33;
	v31 =	vld.idx.msk [tilespmem:v20+s0+$0x0], $0xffff;
	(pc) =	sbr.rel @p1 .LBB2_3-.Ltmp0, $4  }
0xb1: {  	v41 =	vsel vm0, v41, v36;
	v47 =	vmin.f32 v11, v34;
	v32 =	vld.idx.msk [tilespmem:v43+s0+$0x0], $0xffff;
	v43 =	vmax.f32 v7, v35;
	v27 =	vpop (erf)  }
0xb2: {  	v36 =	vsub.f32 v33, v45;
	v38 =	vmax.f32 v7, v38;
	v34 =	vld.idx.msk [tilespmem:v46+s0+$0x0], $0xffff;
	(erf) = vrcp.f32 v42  }
0xb3: {  	v15 =	vsel vm1, v41, v15;
	v33 =	vsub.f32 v37, v40;
	v37 =	vsub.f32 v47, v38;
	v35 =	vld.idx.msk [tilespmem:v39+s0+$0x0], $0xffff  }
0xb4: {  	v26 =	vmul.f32 v28, v26;
	v28 =	vsub.f32 v44, v43  }
0xb5: {  	_ =	sdelay $0x3  }
0xb6: {  	v38 =	vld.idx.msk [tilespmem:v20+s31+$0x0], $0xffff;
	v31 =	vmax.f32 v8, v31  }
0xb7: {  	v22 =	vld.idx.msk [tilespmem:v22+s31+$0x0], $0xffff;
	v32 =	vmax.f32 v7, v32;
	v34 =	vmin.f32 v12, v34;
	v35 =	vmin.f32 v11, v35  }
0xb8: {  	v31 =	vsub.f32 v34, v31;
	v32 =	vsub.f32 v35, v32  }
0xb9: {  	v55 =	vmax.f32 v36, $0.0e+00;
	v56 =	vmax.f32 v37, $0.0e+00  }
0xba: {  	v33 =	vmax.f32 v33, $0.0e+00;
	v31 =	vmax.f32 v31, $0.0e+00;
	v32 =	vmax.f32 v32, $0.0e+00  }
0xbb: {  	v29 =	vsub.f32 v29, v26;
	v57 =	vadd.f32 v38, v17;
	v31 =	vmul.f32 v32, v31  }
0xbc: {  	v28 =	vmax.f32 v28, $0.0e+00;
	v58 =	vmul.f32 v56, v55;
	v22 =	vadd.f32 v22, v17  }
0xbd: {  	v59 =	vadd.f32 v30, v17;
	v28 =	vmul.f32 v28, v33;
	v60 =	vsub.f32 v57, v31  }
0xbe: {  	(erf) = vrcp.f32 v29;
	v22 =	vsub.f32 v22, v58  }
0xbf: {  	v17 =	vsub.f32 v59, v28;
	(erf) = vrcp.f32 v60  }
0xc0: {  	(erf) = vrcp.f32 v22  }
0xc1: {  	(erf) = vrcp.f32 v17;
	_ =	sdelay $0x3  }
0xc2: {  	v61 =	vpop (erf)  }
0xc3: {  	v21 =	vmul.f32 v27, v21;
	v62 =	vpop (erf)  }
0xc4: {  	v19 =	vmul.f32 v25, v19;
	vm7 =	vge.f32 v8, $0.0e+00;
	vm8 =	vge.f32 v7, $0.0e+00;
	v63 =	vpop (erf)  }
0xc5: {  	vm10 =	vle.f32 v12, v6;
	vm11 =	vle.f32 v11, v4;
	vm9 =	vmand vm7, vm8;
	v29 =	vpop (erf)  }
0xc6: {  	vm0 =	vgt.f32 v19, v21;
	v22 =	vmul.f32 v62, v24;
	v17 =	vmul.f32 v61, v23;
	v30 =	vpop (erf)  }
0xc7: {  	v19 =	vsel vm0, v19, v21;
	v33 =	vmul.f32 v63, v26;
	v31 =	vmul.f32 v29, v31;
	v32 =	vpop (erf)  }
0xc8: {  	vm1 =	vgt.f32 v17, v22;
	v21 =	vmul.f32 v30, v58;
	v23 =	vmul.f32 v32, v28  }
0xc9: {  	v18 =	vsel vm0, s10, v18;
	vm0 =	vmand vm9, vm10;
	v17 =	vsel vm1, v17, v22  }
0xca: {  	vm2 =	vgt.f32 v17, v19;
	vm14 =	vgt.f32 v33, v31;
	vm3 =	vgt.f32 v21, v23  }
0xcb: {  	v17 =	vsel vm2, v17, v19;
	v34 =	vsel vm14, v33, v31;
	v35 =	vsel vm3, v21, v23  }
0xcc: {  	v13 =	vsel vm1, s11, v13;
	vm13 =	vgt.f32 v17, v14;
	vm15 =	vgt.f32 v35, v34  }
0xcd: {  	v13 =	vsel vm2, v13, v18;
	v14 =	vsel vm13, v17, v14;
	v37 =	vsel vm15, v35, v34  }
0xce: {  	v36 =	vsel vm14, s12, v20;
	v16 =	vsel vm3, s13, v16;
	vm6 =	vgt.f32 v37, v14  }
0xcf: {  	v13 =	vsel vm13, v13, v15;
	v15 =	vsel vm15, v16, v36;
	v38 =	vsel vm6, v37, v14  }
0xd0: {  	(erf) = vrcp.f32 v10;
	v13 =	vsel vm6, v15, v13;
	vm12 =	vlt.f32 v38, $3.000000120e-01  }
0xd1: {  	(erf) = vrcp.f32 v9;
	vm13 =	vge.f32 v38, $6.999999880e-01;
	v39 =	vsel vm12, $0x0, v1  }
0xd2: {  	vm0 =	vmand vm0, vm11;
	v11 =	vsel vm13, $0x3F800000, v39  }
0xd3: {  	v11 =	vnsel vm0, $0xBF800000, v11  }
0xd4: {  	[tilespmem:s9+$0xD80] =	vst v11  }
0xd5: {  	v11 =	vld.idx.msk [tilespmem:v13+s3+$0x0], $0xffff  }
0xd6: {  	v40 =	vld.idx.msk [tilespmem:v13+s5+$0x0], $0xffff;
	_ =	sdelay $0x2  }
0xd7: {  	v41 =	vpop (erf)  }
0xd8: {  	v42 =	vpop (erf);
	v11 =	vmul.f32 v11, v41  }
0xd9: {  	v12 =	vmul.f32 v40, v42  }
0xda: {  	v43 =	vand.u32 $0x7FFFFF, v11  }
0xdb: {  	v44 =	vand.u32 $0x7FFFFF, v12;
	v16 =	vor.u32 $0x3F800000, v43  }
0xdc: {  	v17 =	vor.u32 $0x3F800000, v44;
	v45 =	vmul.f32 $5.000000000e-01, v16  }
0xdd: {  	v46 =	vmul.f32 $5.000000000e-01, v17  }
0xde: {  	vm4 =	vge.f32 v45, $7.071067690e-01  }
0xdf: {  	vm14 =	vge.f32 v46, $7.071067690e-01;
	v16 =	vsel vm4, v45, v16  }
0xe0: {  	v17 =	vsel vm14, v46, v17;
	v16 =	vadd.f32 $-1.000000000e+00, v16  }
0xe1: {  	v17 =	vadd.f32 $-1.000000000e+00, v17  }
0xe2: {  	v47 =	vmul.f32 $7.037683580e-02, v16  }
0xe3: {  	v48 =	vmul.f32 $7.037683580e-02, v17  }
0xe4: {  	v18 =	vadd.f32 $-1.151461010e-01, v47  }
0xe5: {  	v19 =	vadd.f32 $-1.151461010e-01, v48  }
0xe6: {  	v18 =	vmul.f32 v18, v16  }
0xe7: {  	v19 =	vmul.f32 v19, v17  }
0xe8: {  	v18 =	vadd.f32 $1.167699840e-01, v18  }
0xe9: {  	v19 =	vadd.f32 $1.167699840e-01, v19  }
0xea: {  	v18 =	vmul.f32 v18, v16  }
0xeb: {  	v19 =	vmul.f32 v19, v17  }
0xec: {  	v18 =	vadd.f32 $-1.242014100e-01, v18  }
0xed: {  	v19 =	vadd.f32 $-1.242014100e-01, v19  }
0xee: {  	v18 =	vmul.f32 v18, v16  }
0xef: {  	v19 =	vmul.f32 v19, v17  }
0xf0: {  	v18 =	vadd.f32 $1.424932330e-01, v18  }
0xf1: {  	v19 =	vadd.f32 $1.424932330e-01, v19  }
0xf2: {  	v18 =	vmul.f32 v18, v16  }
0xf3: {  	v19 =	vmul.f32 v19, v17  }
0xf4: {  	v18 =	vadd.f32 $-1.666805740e-01, v18  }
0xf5: {  	v19 =	vadd.f32 $-1.666805740e-01, v19  }
0xf6: {  	v18 =	vmul.f32 v18, v16  }
0xf7: {  	v19 =	vmul.f32 v19, v17  }
0xf8: {  	v18 =	vadd.f32 $2.000071410e-01, v18  }
0xf9: {  	v50 =	vmul.f32 $5.000000000e-01, v10;
	v51 =	vmul.f32 $5.000000000e-01, v9;
	v19 =	vadd.f32 $2.000071410e-01, v19  }
0xfa: {  	v11 =	vshrl.u32 v11, $0x17;
	v12 =	vshrl.u32 v12, $0x17;
	v18 =	vmul.f32 v18, v16  }
0xfb: {  	v11 =	vand.u32 $0xFF, v11;
	v12 =	vand.u32 $0xFF, v12;
	v19 =	vmul.f32 v19, v17  }
0xfc: {  	v49 =	vsel vm4, $0x1, v3;
	v53 =	vsel vm14, $0x1, v3;
	v18 =	vadd.f32 $-2.499999400e-01, v18  }
0xfd: {  	v11 =	vadd.s32 v49, v11;
	v12 =	vadd.s32 v53, v12;
	v19 =	vadd.f32 $-2.499999400e-01, v19  }
0xfe: {  	v11 =	vadd.s32 $0xFFFFFF81, v11;
	v52 =	vmul.f32 v16, v16;
	v18 =	vmul.f32 v18, v16  }
0xff: {  	v12 =	vadd.s32 $0xFFFFFF81, v12;
	v54 =	vmul.f32 v17, v17;
	v19 =	vmul.f32 v19, v17  }
0x100: {  	v11 =	vcvt.s32.f32 v11;
	v55 =	vmul.f32 v52, v16;
	v18 =	vadd.f32 $3.333333130e-01, v18  }
0x101: {  	v56 =	vld.idx.msk [tilespmem:v13+s29+$0x0], $0xffff;
	v12 =	vcvt.s32.f32 v12;
	v57 =	vmul.f32 v54, v17;
	v19 =	vadd.f32 $3.333333130e-01, v19  }
0x102: {  	v13 =	vld.idx.msk [tilespmem:v13+s2+$0x0], $0xffff;
	v58 =	vmul.f32 $2.121944420e-04, v11;
	v18 =	vmul.f32 v18, v55  }
0x103: {  	v59 =	vmul.f32 $2.121944420e-04, v12;
	v19 =	vmul.f32 v19, v57  }
0x104: {  	v8 =	vadd.f32 v50, v8;
	v61 =	vmul.f32 $5.000000000e-01, v52;
	v60 =	vsub.f32 v18, v58  }
0x105: {  	v7 =	vadd.f32 v51, v7;
	v63 =	vmul.f32 $5.000000000e-01, v54;
	v62 =	vsub.f32 v19, v59  }
0x106: {  	v8 =	vsub.f32 v56, v8;
	v10 =	vsub.f32 v60, v61  }
0x107: {  	v7 =	vsub.f32 v13, v7;
	v9 =	vsub.f32 v62, v63  }
0x108: {  	v8 =	vmul.f32 v8, v41;
	v11 =	vmul.f32 $6.933593750e-01, v11;
	v10 =	vadd.f32 v10, v16  }
0x109: {  	v7 =	vmul.f32 v7, v42;
	v12 =	vmul.f32 $6.933593750e-01, v12;
	v9 =	vadd.f32 v9, v17  }
0x10a: {  	s8 =	sadd.s32 $0x1, s8;
	v8 =	vnsel vm0, $0x3F800000, v8;
	v10 =	vadd.f32 v10, v11  }
0x10b: {  	p1 =	sne.s32 s8, s7;
	v7 =	vnsel vm0, $0x3F800000, v7;
	[tilespmem:s9+$0x1000] =	vst v8;
	v8 =	vadd.f32 v9, v12  }
.Ltmp1:
0x10c: {  	vm15 =	vmneg vm13;
	[tilespmem:s9+$0x1280] =	vst v7;
	v7 =	vnsel vm0, $0x3F800000, v10;
	(pc) =	sbr.rel @p1 .LBB2_2-.Ltmp1, $4  }
0x10d: {  	vm1 =	vmor vm12, vm13;
	vm3 =	vmand vm0, vm15;
	[tilespmem:s9+$0x1500] =	vst v7;
	v7 =	vnsel vm0, $0x3F800000, v8  }
0x10e: {  	v8 =	vsel vm1, $0x40000000, v0;
	vm1 =	vmand vm0, vm1;
	[tilespmem:s9+$0x1780] =	vst v7;
	v7 =	vsel vm3, $0x0, v2  }
0x10f: {  	[tilespmem:s9+$0x1A00] =	vst v7;
	v7 =	vnsel vm0, $0x3F800000, v8;
	v8 =	vsel vm1, $0x3F800000, v0  }
0x110: {  	[tilespmem:s9+$0x1C80] =	vst v7;
	v5 =	vadd.f32 v8, v5  }
0x111: {  	_ = 	snop  }
0x112: {  	s7 =	rddreg [dreg:$0xa];
	s8 =	simm.s32 $0xD80;
	[tilespmem:$0x1F80] =	vst v5  }
0x113: {  	[hbm4b:s7+s1] =	stream.linear.scatter [tilespmem:s8], [sflag:$0x1], $0x270, $0x38;
	[tilespmem:$0x2000] =	vst v63  }
0x114: {  	s14 =	rddreg [dreg:$0xb];
	s15 =	simm.s32 $0x1000  }
0x115: {  	[hbm4b:s14+s1] =	stream.linear.scatter [tilespmem:s15], [sflag:$0x1], $0x270, $0x38;
	[tilespmem:$0x2000] =	vst v63  }
0x116: {  	s16 =	rddreg [dreg:$0xc];
	s17 =	simm.s32 $0x1280  }
0x117: {  	[hbm4b:s16+s1] =	stream.linear.scatter [tilespmem:s17], [sflag:$0x1], $0x270, $0x38;
	[tilespmem:$0x2000] =	vst v63  }
0x118: {  	s9 =	rddreg [dreg:$0xd];
	s10 =	simm.s32 $0x1500  }
0x119: {  	[hbm4b:s9+s1] =	stream.linear.scatter [tilespmem:s10], [sflag:$0x1], $0x270, $0x38;
	[tilespmem:$0x2000] =	vst v63  }
0x11a: {  	s11 =	rddreg [dreg:$0xe];
	s12 =	simm.s32 $0x1780  }
0x11b: {  	[hbm4b:s11+s1] =	stream.linear.scatter [tilespmem:s12], [sflag:$0x1], $0x270, $0x38;
	[tilespmem:$0x2000] =	vst v63  }
0x11c: {  	s13 =	rddreg [dreg:$0xf];
	s14 =	simm.s32 $0x1A00  }
0x11d: {  	[hbm4b:s13+s1] =	stream.linear.scatter [tilespmem:s14], [sflag:$0x1], $0x270, $0x38;
	[tilespmem:$0x2000] =	vst v63  }
0x11e: {  	s15 =	rddreg [dreg:$0x10];
	s16 =	simm.s32 $0x1C80  }
0x11f: {  	[hbm4b:s15+s1] =	stream.linear.scatter [tilespmem:s16], [sflag:$0x1], $0x270, $0x38;
	[tilespmem:$0x2000] =	vst v63  }
0x120: {  	s17 =	simm.s32 $0x1F80  }
0x121: {  	[hbm4b:s24+s1] =	stream.linear.scatter [tilespmem:s17], [sflag:$0x1], $0x10, $0x38;
	[tilespmem:$0x2000] =	vst v63  }
0x122: {  	s7 =	simm.s32 @!p0 $0x0;
	s8 =	simm.s32 @!p0 $0xFF0;
	s9 =	rddreg [dreg:$0x11]  }
0x123: {  	[hbm4b:s9+s7] =	stream.linear.scatter @!p0 [tilespmem:s8], [sflag:$0x1], $0x10, $0x38;
	[tilespmem:$0x2000] =	vst v63  }
0x124: {  	s8 =	simm.s32 @!p0 $0x1  }
0x125: {  	_ =	swait.ge @!p0 [sflag:s8], $0x10  }
0x126: {  	[sflag:s8] =	ssyncset.done @!p0 $0x0  }
0x127: {  	s9 =	simm.s32 @!p0 $0x1270;
	s10 =	rddreg [dreg:$0x12];
	[sflag:s8] =	ssyncadd.s32 @!p0 $0xFFFFFFF0  }
0x128: {  	[hbm4b:s10+s7] =	stream.linear.scatter @!p0 [tilespmem:s9], [sflag:$0x1], $0x10, $0x38;
	[tilespmem:$0x2000] =	vst v63  }
0x129: {  	_ =	swait.ge @!p0 [sflag:s8], $0x10  }
0x12a: {  	[sflag:s8] =	ssyncset.done @!p0 $0x0  }
0x12b: {  	s9 =	simm.s32 @!p0 $0x14F0;
	s10 =	rddreg [dreg:$0x13];
	[sflag:s8] =	ssyncadd.s32 @!p0 $0xFFFFFFF0  }
0x12c: {  	[hbm4b:s10+s7] =	stream.linear.scatter @!p0 [tilespmem:s9], [sflag:$0x1], $0x10, $0x38;
	[tilespmem:$0x2000] =	vst v63  }
0x12d: {  	_ =	swait.ge @!p0 [sflag:s8], $0x10  }
0x12e: {  	[sflag:s8] =	ssyncset.done @!p0 $0x0  }
0x12f: {  	s9 =	simm.s32 @!p0 $0x1770;
	s10 =	rddreg [dreg:$0x14];
	[sflag:s8] =	ssyncadd.s32 @!p0 $0xFFFFFFF0  }
0x130: {  	[hbm4b:s10+s7] =	stream.linear.scatter @!p0 [tilespmem:s9], [sflag:$0x1], $0x10, $0x38;
	[tilespmem:$0x2000] =	vst v63  }
0x131: {  	_ =	swait.ge @!p0 [sflag:s8], $0x10  }
0x132: {  	[sflag:s8] =	ssyncset.done @!p0 $0x0  }
0x133: {  	s9 =	simm.s32 @!p0 $0x19F0;
	[sflag:s8] =	ssyncadd.s32 @!p0 $0xFFFFFFF0  }
0x134: {  	[hbm4b:s18+s7] =	stream.linear.scatter @!p0 [tilespmem:s9], [sflag:$0x1], $0x10, $0x38;
	[tilespmem:$0x2000] =	vst v63  }
0x135: {  	_ =	swait.ge @!p0 [sflag:s8], $0x10  }
0x136: {  	[sflag:s8] =	ssyncset.done @!p0 $0x0  }
0x137: {  	s9 =	simm.s32 @!p0 $0x1C70;
	[sflag:s8] =	ssyncadd.s32 @!p0 $0xFFFFFFF0  }
0x138: {  	[hbm4b:s19+s7] =	stream.linear.scatter @!p0 [tilespmem:s9], [sflag:$0x1], $0x10, $0x38;
	[tilespmem:$0x2000] =	vst v63  }
0x139: {  	_ =	swait.ge @!p0 [sflag:s8], $0x10  }
0x13a: {  	[sflag:s8] =	ssyncset.done @!p0 $0x0  }
0x13b: {  	s9 =	simm.s32 @!p0 $0x1EF0;
	[sflag:s8] =	ssyncadd.s32 @!p0 $0xFFFFFFF0  }
0x13c: {  	[hbm4b:s20+s7] =	stream.linear.scatter @!p0 [tilespmem:s9], [sflag:$0x1], $0x10, $0x38;
	[tilespmem:$0x2000] =	vst v63  }
0x13d: {  	_ =	swait.ge @!p0 [sflag:s8], $0x10  }
0x13e: {  	[sflag:s8] =	ssyncset.done @!p0 $0x0  }
0x13f: {  	[sflag:s8] =	ssyncadd.s32 @!p0 $0xFFFFFFF0  }
0x140: {  	_ =	swait.ge [sflag:s30], $0x270  }
0x141: {  	[sflag:s30] =	ssyncset.done $0x0  }
0x142: {  	[sflag:s30] =	ssyncadd.s32 $0xFFFFFD90  }
0x143: {  	_ =	swait.ge [sflag:s30], $0x270  }
0x144: {  	[sflag:s30] =	ssyncset.done $0x0  }
0x145: {  	[sflag:s30] =	ssyncadd.s32 $0xFFFFFD90  }
0x146: {  	_ =	swait.ge [sflag:s30], $0x270  }
0x147: {  	[sflag:s30] =	ssyncset.done $0x0  }
0x148: {  	[sflag:s30] =	ssyncadd.s32 $0xFFFFFD90  }
0x149: {  	_ =	swait.ge [sflag:s30], $0x270  }
0x14a: {  	[sflag:s30] =	ssyncset.done $0x0  }
0x14b: {  	[sflag:s30] =	ssyncadd.s32 $0xFFFFFD90  }
0x14c: {  	_ =	swait.ge [sflag:s30], $0x270  }
0x14d: {  	[sflag:s30] =	ssyncset.done $0x0  }
0x14e: {  	[sflag:s30] =	ssyncadd.s32 $0xFFFFFD90  }
0x14f: {  	_ =	swait.ge [sflag:s30], $0x270  }
0x150: {  	[sflag:s30] =	ssyncset.done $0x0  }
0x151: {  	s6 =	sadd.s32 $0x1, s6;
	[sflag:s30] =	ssyncadd.s32 $0xFFFFFD90  }
0x152: {  	p1 =	sne.s32 s6, s25;
	_ =	swait.ge [sflag:s30], $0x270  }
.Ltmp2:
0x153: {  	[sflag:s30] =	ssyncset.done $0x0;
	(pc) =	sbr.rel @p1 .LBB2_1-.Ltmp2, $4  }
0x154: {  	[sflag:s30] =	ssyncadd.s32 $0xFFFFFD90  }
0x155: {  	_ =	swait.ge [sflag:s30], $0x10  }
0x156: {  	[sflag:s30] =	ssyncset.done $0x0  }
0x157: {  	[sflag:s30] =	ssyncadd.s32 $0xFFFFFFF0  }
0x158: {  	_ =	sfence.sel $0x180000  }
0x159: {  	[bflag:$0x0] =	sbarrier.arrive $0xFFFF  }
0x15a: {  	_ =	strace $0x90000047  }
0x15b: {  	[bflag:$0x2] =	sbarrier.arrive $0xFFFF  }
0x15c: {  	s0 =	rddreg [dreg:$0x5]  }
0x15d: {  	s0 =	sadd.s32 @!p0 $0x100000, s0  }
0x15e: {  	[sflag:s0] =	ssyncadd.tile.s32 @!p0 $0x1;
	_ =	shalt  }
.Lfunc_end2:
_tile_overlayer_lowered:
.L_overlay_start_2:
0x15f: {  	(tag) =	ssettag $0x2  }
0x160: {  	s0 =	rddreg [dreg:$0x0];
	s2 =	stileid.u32  }
0x161: {  	s1 =	rddreg [dreg:$0x1];
	p0 =	sne.s32 s2, $0x0  }
0x162: {  	s3 =	rddreg [dreg:$0x2];
	[bflag:$0x3] =	sbarrier.arrive $0xFFFF;
	s2 =	simm.s32 @!p0 $0x1C02  }
0x163: {  	[timem:s3], [sflag:s2] =	dma.local @!p0 [hbm:s0], s1  }
0x164: {  	s0 =	simm.s32 @!p0 $0x2  }
0x165: {  	_ =	swait.ge @!p0 [sflag:s0], s1  }
0x166: {  	s1 =	ssub.s32 @!p0 $0x0, s1;
	[sflag:s0] =	ssyncset.done @!p0 $0x0  }
0x167: {  	[sflag:s0] =	ssyncadd.s32 @!p0 s1  }
0x168: {  	[bflag:$0x3] =	sbarrier.arrive $0xFFFF  }
0x169: {  	_ =	shalt  }

</sc_bundles>
